<compile_context>
chip_gen: v7x
topology: tpu7x:2x2x1
jax: 0.10.2.dev20260603
libtpu: 0.0.44.dev20260713+nightly
codegen_flags: <defaults>
</compile_context>

<pallas_src>
import functools

import jax
import jax.numpy as jnp
from jax import lax
from jax.experimental import pallas as pl
from jax.experimental.pallas import tpu as pltpu
from jax.experimental.pallas import tpu_sc as plsc

VOCAB = 100000
MAXLEN = 200
EMBED_DIM = 128
BATCH = 4096

_INFO = plsc.get_sparse_core_info()
_NC = _INFO.num_cores
_NS = _INFO.num_subcores
_NW = _NC * _NS
_ROWS_PER_W = BATCH * MAXLEN // _NW
_CHUNK = MAXLEN
_NCHUNK = _ROWS_PER_W // _CHUNK
_NBUF = 4


def _body(x_hbm, tok_hbm, pos_hbm, out_hbm,
          ix0, ix1, ix2, ix3, pos_v, b0, b1, b2, b3,
          isem0, isem1, isem2, isem3, gsem0, gsem1, gsem2, gsem3,
          osem0, osem1, osem2, osem3):
    wid = lax.axis_index("s") * _NC + lax.axis_index("c")
    base_row = wid * _ROWS_PER_W

    ix = (ix0, ix1, ix2, ix3)
    isem = (isem0, isem1, isem2, isem3)
    buf = (b0, b1, b2, b3)
    gsem = (gsem0, gsem1, gsem2, gsem3)
    osem = (osem0, osem1, osem2, osem3)

    def idx_src(c):
        return x_hbm.at[pl.ds(base_row + c * _CHUNK, _CHUNK)]

    def start_idx(c, s):
        pltpu.async_copy(idx_src(c), ix[s], isem[s])

    def wait_idx(c, s):
        pltpu.make_async_copy(idx_src(c), ix[s], isem[s]).wait()

    def start_gather(s, b):
        pltpu.async_copy(tok_hbm.at[ix[s]], buf[b], gsem[b])

    def wait_gather(s, b):
        pltpu.make_async_copy(tok_hbm.at[ix[s]], buf[b], gsem[b]).wait()

    def add_pos(b):
        def add_row(i, carry):
            for j in range(EMBED_DIM // 16):
                sl = pl.ds(j * 16, 16)
                buf[b][i, sl] += pos_v[i, sl]
            return carry

        lax.fori_loop(0, _CHUNK, add_row, 0)

    def start_store(c, b):
        pltpu.async_copy(
            buf[b], out_hbm.at[pl.ds(base_row + c * _CHUNK, _CHUNK)], osem[b])

    def wait_store(c, b):
        pltpu.make_async_copy(
            buf[b], out_hbm.at[pl.ds(base_row + c * _CHUNK, _CHUNK)],
            osem[b]).wait()

    pltpu.sync_copy(pos_hbm, pos_v)
    pltpu.sync_copy(idx_src(0), ix[0])
    pltpu.sync_copy(idx_src(1), ix[1])
    start_idx(2, 2)
    start_idx(3, 3)
    start_gather(0, 0)
    start_gather(1, 1)

    def step(c, b, first):
        wait_gather(b, b)
        add_pos(b)
        start_store(c, b)

        @pl.when(c + 4 < _NCHUNK)
        def _():
            start_idx(c + 4, b)

        @pl.when(c + 2 < _NCHUNK)
        def _():
            nb = (b + 2) % _NBUF
            wait_idx(c + 2, nb)
            if not first:
                wait_store(c - 2, nb)
            start_gather(nb, nb)

    step(0, 0, True)
    step(1, 1, True)

    def group_step(g, carry):
        for k in range(_NBUF):
            step(2 + 4 * g + k, (2 + k) % _NBUF, False)
        return carry

    lax.fori_loop(0, (_NCHUNK - 4) // _NBUF, group_step, 0)

    step(_NCHUNK - 2, (_NCHUNK - 2) % _NBUF, False)
    step(_NCHUNK - 1, (_NCHUNK - 1) % _NBUF, False)

    for c in range(_NCHUNK - 4, _NCHUNK):
        wait_store(c, c % _NBUF)


@jax.jit
def _run(x_flat, token_table, pos_table):
    k = functools.partial(
        pl.kernel,
        mesh=plsc.VectorSubcoreMesh(core_axis_name="c", subcore_axis_name="s"),
        out_type=jax.ShapeDtypeStruct((BATCH * MAXLEN, EMBED_DIM), jnp.float32),
        scratch_types=[
            pltpu.VMEM((_CHUNK,), jnp.int32),
            pltpu.VMEM((_CHUNK,), jnp.int32),
            pltpu.VMEM((_CHUNK,), jnp.int32),
            pltpu.VMEM((_CHUNK,), jnp.int32),
            pltpu.VMEM((MAXLEN, EMBED_DIM), jnp.float32),
            pltpu.VMEM((_CHUNK, EMBED_DIM), jnp.float32),
            pltpu.VMEM((_CHUNK, EMBED_DIM), jnp.float32),
            pltpu.VMEM((_CHUNK, EMBED_DIM), jnp.float32),
            pltpu.VMEM((_CHUNK, EMBED_DIM), jnp.float32),
            pltpu.SemaphoreType.DMA,
            pltpu.SemaphoreType.DMA,
            pltpu.SemaphoreType.DMA,
            pltpu.SemaphoreType.DMA,
            pltpu.SemaphoreType.DMA,
            pltpu.SemaphoreType.DMA,
            pltpu.SemaphoreType.DMA,
            pltpu.SemaphoreType.DMA,
            pltpu.SemaphoreType.DMA,
            pltpu.SemaphoreType.DMA,
            pltpu.SemaphoreType.DMA,
            pltpu.SemaphoreType.DMA,
        ],
    )(_body)
    return k(x_flat, token_table, pos_table)


def kernel(x, token_table, pos_table):
    x_flat = x.astype(jnp.int32).reshape(-1)
    out = _run(x_flat, token_table, pos_table)
    return out.reshape(BATCH, MAXLEN, EMBED_DIM)

# --- scband reference (transcript-rebuilt; emitter-appended) ---
"""Pipeline reference for scband-token-and-position-embedding-14181982012038 (READ-ONLY COPY).

The authoritative reference and input builder live on the scoring server;
editing this copy changes nothing except your own understanding.
"""

import jax, jax.numpy as jnp
import numpy as np

VOCAB = 100000
MAXLEN = 200
EMBED_DIM = 128
BATCH = 4096


def setup_inputs(seed: int = 0) -> dict:
    key = jax.random.key(seed)
    k1, k2, k3 = jax.random.split(key, 3)
    x = jax.random.randint(k1, (BATCH, MAXLEN), 0, VOCAB, dtype=jnp.int64 if jax.config.jax_enable_x64 else jnp.int32)
    token_table = jax.random.normal(k2, (VOCAB, EMBED_DIM), dtype=jnp.float32) * 0.02
    pos_table = jax.random.normal(k3, (MAXLEN, EMBED_DIM), dtype=jnp.float32) * 0.02
    return {"x": x, "token_table": token_table, "pos_table": pos_table}


def reference(x, token_table, pos_table):
    # token embedding: gather rows from token_table
    tok = jnp.take(token_table, x, axis=0)          # [B, L, D]
    # position embedding: gather rows 0..L-1 from pos_table
    positions = jnp.arange(x.shape[-1])
    pos = jnp.take(pos_table, positions, axis=0)    # [L, D]
    return tok + pos[None, :, :]

if __name__ == "__main__":
    import jax
    _d = setup_inputs()
    print(jax.jit(kernel)(*tuple(_d.values())))

</pallas_src>

<mosaic_0001>
#map = affine_map<(d0, d1) -> (0)>
#map1 = affine_map<(d0, d1) -> (0, 0)>
module attributes {stable_mosaic.version = 14 : i64} {
  func.func @_body(%arg0: i32, %arg1: i32, %arg2: memref<819200xi32, #tpu.memory_space<hbm>>, %arg3: memref<100000x128xf32, #tpu.memory_space<hbm>>, %arg4: memref<200x128xf32, #tpu.memory_space<hbm>>, %arg5: memref<819200x128xf32, #tpu.memory_space<hbm>>, %arg6: memref<200xi32, #tpu.memory_space<vmem>>, %arg7: memref<200xi32, #tpu.memory_space<vmem>>, %arg8: memref<200xi32, #tpu.memory_space<vmem>>, %arg9: memref<200xi32, #tpu.memory_space<vmem>>, %arg10: memref<200x128xf32, #tpu.memory_space<vmem>>, %arg11: memref<200x128xf32, #tpu.memory_space<vmem>>, %arg12: memref<200x128xf32, #tpu.memory_space<vmem>>, %arg13: memref<200x128xf32, #tpu.memory_space<vmem>>, %arg14: memref<200x128xf32, #tpu.memory_space<vmem>>, %arg15: memref<!tpu.dma_semaphore, #tpu.memory_space<semaphore_mem>>, %arg16: memref<!tpu.dma_semaphore, #tpu.memory_space<semaphore_mem>>, %arg17: memref<!tpu.dma_semaphore, #tpu.memory_space<semaphore_mem>>, %arg18: memref<!tpu.dma_semaphore, #tpu.memory_space<semaphore_mem>>, %arg19: memref<!tpu.dma_semaphore, #tpu.memory_space<semaphore_mem>>, %arg20: memref<!tpu.dma_semaphore, #tpu.memory_space<semaphore_mem>>, %arg21: memref<!tpu.dma_semaphore, #tpu.memory_space<semaphore_mem>>, %arg22: memref<!tpu.dma_semaphore, #tpu.memory_space<semaphore_mem>>, %arg23: memref<!tpu.dma_semaphore, #tpu.memory_space<semaphore_mem>>, %arg24: memref<!tpu.dma_semaphore, #tpu.memory_space<semaphore_mem>>, %arg25: memref<!tpu.dma_semaphore, #tpu.memory_space<semaphore_mem>>, %arg26: memref<!tpu.dma_semaphore, #tpu.memory_space<semaphore_mem>>) attributes {dimension_semantics = [#tpu.dimension_semantics<core_parallel>, #tpu.dimension_semantics<subcore_parallel>], iteration_bounds = array<i64: 2, 16>, scalar_prefetch = 0 : i64, scratch_operands = 21 : i64, tpu.core_type = #tpu.core_type<sc_vector_subcore>, window_params = [{transform_indices = #map}, {transform_indices = #map1}, {transform_indices = #map1}, {transform_indices = #map1}]} {
    %mul3A = arith.constant 2 : i32
    %mul3A_0 = arith.muli %arg1, %mul3A : i32
    %add3A = arith.addi %mul3A_0, %arg0 : i32
    %mul3A_1 = arith.constant 25600 : i32
    %mul3A_2 = arith.muli %add3A, %mul3A_1 : i32
    "tpu.region"() ({
      %run_scoped3A = tpu.sem_alloc : memref<!tpu.dma_semaphore, #tpu.memory_space<semaphore_mem>>
      tpu.enqueue_dma source(%arg4 : memref<200x128xf32, #tpu.memory_space<hbm>>) target(%arg10 : memref<200x128xf32, #tpu.memory_space<vmem>>) target_semaphore(%run_scoped3A : memref<!tpu.dma_semaphore, #tpu.memory_space<semaphore_mem>>)
      tpu.wait_dma2 semaphore(%run_scoped3A : memref<!tpu.dma_semaphore, #tpu.memory_space<semaphore_mem>>) src(%arg4 : memref<200x128xf32, #tpu.memory_space<hbm>>) dst(%arg10 : memref<200x128xf32, #tpu.memory_space<vmem>>)
      tpu.yield
    }) : () -> ()
    %add3A_3 = arith.constant 0 : i32
    %add3A_4 = arith.addi %mul3A_2, %add3A_3 : i32
    "tpu.region"() ({
      %run_scoped3A = tpu.sem_alloc : memref<!tpu.dma_semaphore, #tpu.memory_space<semaphore_mem>>
      %dma_start3A_130 = tpu.memref_slice %arg2[%add3A_4] : memref<819200xi32, #tpu.memory_space<hbm>> -> memref<200xi32, #tpu.memory_space<hbm>>
      %dma_start3A_131 = tpu.memref_slice %arg2[%add3A_4] : memref<819200xi32, #tpu.memory_space<hbm>> -> memref<200xi32, #tpu.memory_space<hbm>>
      tpu.enqueue_dma source(%dma_start3A_131 : memref<200xi32, #tpu.memory_space<hbm>>) target(%arg6 : memref<200xi32, #tpu.memory_space<vmem>>) target_semaphore(%run_scoped3A : memref<!tpu.dma_semaphore, #tpu.memory_space<semaphore_mem>>)
      %dma_wait3A_132 = tpu.memref_slice %arg2[%add3A_4] : memref<819200xi32, #tpu.memory_space<hbm>> -> memref<200xi32, #tpu.memory_space<hbm>>
      %dma_wait3A_133 = tpu.memref_slice %arg2[%add3A_4] : memref<819200xi32, #tpu.memory_space<hbm>> -> memref<200xi32, #tpu.memory_space<hbm>>
      tpu.wait_dma2 semaphore(%run_scoped3A : memref<!tpu.dma_semaphore, #tpu.memory_space<semaphore_mem>>) src(%dma_wait3A_133 : memref<200xi32, #tpu.memory_space<hbm>>) dst(%arg6 : memref<200xi32, #tpu.memory_space<vmem>>)
      tpu.yield
    }) : () -> ()
    %add3A_5 = arith.constant 200 : i32
    %add3A_6 = arith.addi %mul3A_2, %add3A_5 : i32
    "tpu.region"() ({
      %run_scoped3A = tpu.sem_alloc : memref<!tpu.dma_semaphore, #tpu.memory_space<semaphore_mem>>
      %dma_start3A_130 = tpu.memref_slice %arg2[%add3A_6] : memref<819200xi32, #tpu.memory_space<hbm>> -> memref<200xi32, #tpu.memory_space<hbm>>
      %dma_start3A_131 = tpu.memref_slice %arg2[%add3A_6] : memref<819200xi32, #tpu.memory_space<hbm>> -> memref<200xi32, #tpu.memory_space<hbm>>
      tpu.enqueue_dma source(%dma_start3A_131 : memref<200xi32, #tpu.memory_space<hbm>>) target(%arg7 : memref<200xi32, #tpu.memory_space<vmem>>) target_semaphore(%run_scoped3A : memref<!tpu.dma_semaphore, #tpu.memory_space<semaphore_mem>>)
      %dma_wait3A_132 = tpu.memref_slice %arg2[%add3A_6] : memref<819200xi32, #tpu.memory_space<hbm>> -> memref<200xi32, #tpu.memory_space<hbm>>
      %dma_wait3A_133 = tpu.memref_slice %arg2[%add3A_6] : memref<819200xi32, #tpu.memory_space<hbm>> -> memref<200xi32, #tpu.memory_space<hbm>>
      tpu.wait_dma2 semaphore(%run_scoped3A : memref<!tpu.dma_semaphore, #tpu.memory_space<semaphore_mem>>) src(%dma_wait3A_133 : memref<200xi32, #tpu.memory_space<hbm>>) dst(%arg7 : memref<200xi32, #tpu.memory_space<vmem>>)
      tpu.yield
    }) : () -> ()
    %add3A_7 = arith.constant 400 : i32
    %add3A_8 = arith.addi %mul3A_2, %add3A_7 : i32
    %dma_start3A = tpu.memref_slice %arg2[%add3A_8] : memref<819200xi32, #tpu.memory_space<hbm>> -> memref<200xi32, #tpu.memory_space<hbm>>
    %dma_start3A_9 = tpu.memref_slice %arg2[%add3A_8] : memref<819200xi32, #tpu.memory_space<hbm>> -> memref<200xi32, #tpu.memory_space<hbm>>
    tpu.enqueue_dma source(%dma_start3A_9 : memref<200xi32, #tpu.memory_space<hbm>>) target(%arg8 : memref<200xi32, #tpu.memory_space<vmem>>) target_semaphore(%arg17 : memref<!tpu.dma_semaphore, #tpu.memory_space<semaphore_mem>>)
    %add3A_10 = arith.constant 600 : i32
    %add3A_11 = arith.addi %mul3A_2, %add3A_10 : i32
    %dma_start3A_12 = tpu.memref_slice %arg2[%add3A_11] : memref<819200xi32, #tpu.memory_space<hbm>> -> memref<200xi32, #tpu.memory_space<hbm>>
    %dma_start3A_13 = tpu.memref_slice %arg2[%add3A_11] : memref<819200xi32, #tpu.memory_space<hbm>> -> memref<200xi32, #tpu.memory_space<hbm>>
    tpu.enqueue_dma source(%dma_start3A_13 : memref<200xi32, #tpu.memory_space<hbm>>) target(%arg9 : memref<200xi32, #tpu.memory_space<vmem>>) target_semaphore(%arg18 : memref<!tpu.dma_semaphore, #tpu.memory_space<semaphore_mem>>)
    %dma_start3A_14 = arith.constant 0 : i32
    %dma_start3A_15 = arith.constant 0 : i32
    %dma_start3A_16 = tpu.memref_slice %arg3[%dma_start3A_14, %dma_start3A_15] : memref<100000x128xf32, #tpu.memory_space<hbm>> -> memref<100000x128xf32, #tpu.memory_space<hbm>>
    tpu.enqueue_indirect_dma source(%dma_start3A_16 : memref<100000x128xf32, #tpu.memory_space<hbm>>) target(%arg11 : memref<200x128xf32, #tpu.memory_space<vmem>>) offsets(%arg6 : memref<200xi32, #tpu.memory_space<vmem>>) semaphore(%arg19 : memref<!tpu.dma_semaphore, #tpu.memory_space<semaphore_mem>>)
    %dma_start3A_17 = arith.constant 0 : i32
    %dma_start3A_18 = arith.constant 0 : i32
    %dma_start3A_19 = tpu.memref_slice %arg3[%dma_start3A_17, %dma_start3A_18] : memref<100000x128xf32, #tpu.memory_space<hbm>> -> memref<100000x128xf32, #tpu.memory_space<hbm>>
    tpu.enqueue_indirect_dma source(%dma_start3A_19 : memref<100000x128xf32, #tpu.memory_space<hbm>>) target(%arg12 : memref<200x128xf32, #tpu.memory_space<vmem>>) offsets(%arg7 : memref<200xi32, #tpu.memory_space<vmem>>) semaphore(%arg20 : memref<!tpu.dma_semaphore, #tpu.memory_space<semaphore_mem>>)
    %dma_wait3A = arith.constant 0 : i32
    %dma_wait3A_20 = arith.constant 0 : i32
    %dma_wait3A_21 = tpu.memref_slice %arg3[%dma_wait3A, %dma_wait3A_20] : memref<100000x128xf32, #tpu.memory_space<hbm>> -> memref<100000x128xf32, #tpu.memory_space<hbm>>
    tpu.wait_indirect_dma semaphore(%arg19 : memref<!tpu.dma_semaphore, #tpu.memory_space<semaphore_mem>>) src(%dma_wait3A_21 : memref<100000x128xf32, #tpu.memory_space<hbm>>) dst(%arg11 : memref<200x128xf32, #tpu.memory_space<vmem>>)
    %scan3A = arith.constant 0 : i32
    %scan3A_22 = arith.constant 0 : i32
    %scan3A_23 = arith.constant 200 : i32
    %scan3A_24 = arith.addi %scan3A_22, %scan3A_23 : i32
    %scan3A_25 = arith.constant 1 : i32
    scf.for %scan3A_130 = %scan3A_22 to %scan3A_24 step %scan3A_25  : i32 {
      %get3A = arith.index_cast %scan3A_130 : i32 to index
      %get3A_131 = arith.constant 0 : index
      %get3A_132 = tpu.vector_load %arg11[%get3A, %get3A_131] {strides = array<i32>} : memref<200x128xf32, #tpu.memory_space<vmem>>, vector<1x16xf32>,
      %get3A_133 = vector.shape_cast %get3A_132 : vector<1x16xf32> to vector<16xf32>
      %get3A_134 = arith.index_cast %scan3A_130 : i32 to index
      %get3A_135 = arith.constant 0 : index
      %get3A_136 = tpu.vector_load %arg10[%get3A_134, %get3A_135] {strides = array<i32>} : memref<200x128xf32, #tpu.memory_space<vmem>>, vector<1x16xf32>,
      %get3A_137 = vector.shape_cast %get3A_136 : vector<1x16xf32> to vector<16xf32>
      %add3A_138 = arith.addf %get3A_133, %get3A_137 : vector<16xf32>
      %swap3A = arith.index_cast %scan3A_130 : i32 to index
      %swap3A_139 = arith.constant 0 : index
      %swap3A_140 = tpu.vector_load %arg11[%swap3A, %swap3A_139] {strides = array<i32>} : memref<200x128xf32, #tpu.memory_space<vmem>>, vector<1x16xf32>,
      %swap3A_141 = vector.shape_cast %swap3A_140 : vector<1x16xf32> to vector<16xf32>
      %swap3A_142 = vector.shape_cast %add3A_138 : vector<16xf32> to vector<1x16xf32>
      tpu.vector_store %arg11[%swap3A, %swap3A_139], %swap3A_142 {strides = array<i32>} : memref<200x128xf32, #tpu.memory_space<vmem>>, vector<1x16xf32>,
      %get3A_143 = arith.index_cast %scan3A_130 : i32 to index
      %get3A_144 = arith.constant 16 : index
      %get3A_145 = tpu.vector_load %arg11[%get3A_143, %get3A_144] {strides = array<i32>} : memref<200x128xf32, #tpu.memory_space<vmem>>, vector<1x16xf32>,
      %get3A_146 = vector.shape_cast %get3A_145 : vector<1x16xf32> to vector<16xf32>
      %get3A_147 = arith.index_cast %scan3A_130 : i32 to index
      %get3A_148 = arith.constant 16 : index
      %get3A_149 = tpu.vector_load %arg10[%get3A_147, %get3A_148] {strides = array<i32>} : memref<200x128xf32, #tpu.memory_space<vmem>>, vector<1x16xf32>,
      %get3A_150 = vector.shape_cast %get3A_149 : vector<1x16xf32> to vector<16xf32>
      %add3A_151 = arith.addf %get3A_146, %get3A_150 : vector<16xf32>
      %swap3A_152 = arith.index_cast %scan3A_130 : i32 to index
      %swap3A_153 = arith.constant 16 : index
      %swap3A_154 = tpu.vector_load %arg11[%swap3A_152, %swap3A_153] {strides = array<i32>} : memref<200x128xf32, #tpu.memory_space<vmem>>, vector<1x16xf32>,
      %swap3A_155 = vector.shape_cast %swap3A_154 : vector<1x16xf32> to vector<16xf32>
      %swap3A_156 = vector.shape_cast %add3A_151 : vector<16xf32> to vector<1x16xf32>
      tpu.vector_store %arg11[%swap3A_152, %swap3A_153], %swap3A_156 {strides = array<i32>} : memref<200x128xf32, #tpu.memory_space<vmem>>, vector<1x16xf32>,
      %get3A_157 = arith.index_cast %scan3A_130 : i32 to index
      %get3A_158 = arith.constant 32 : index
      %get3A_159 = tpu.vector_load %arg11[%get3A_157, %get3A_158] {strides = array<i32>} : memref<200x128xf32, #tpu.memory_space<vmem>>, vector<1x16xf32>,
      %get3A_160 = vector.shape_cast %get3A_159 : vector<1x16xf32> to vector<16xf32>
      %get3A_161 = arith.index_cast %scan3A_130 : i32 to index
      %get3A_162 = arith.constant 32 : index
      %get3A_163 = tpu.vector_load %arg10[%get3A_161, %get3A_162] {strides = array<i32>} : memref<200x128xf32, #tpu.memory_space<vmem>>, vector<1x16xf32>,
      %get3A_164 = vector.shape_cast %get3A_163 : vector<1x16xf32> to vector<16xf32>
      %add3A_165 = arith.addf %get3A_160, %get3A_164 : vector<16xf32>
      %swap3A_166 = arith.index_cast %scan3A_130 : i32 to index
      %swap3A_167 = arith.constant 32 : index
      %swap3A_168 = tpu.vector_load %arg11[%swap3A_166, %swap3A_167] {strides = array<i32>} : memref<200x128xf32, #tpu.memory_space<vmem>>, vector<1x16xf32>,
      %swap3A_169 = vector.shape_cast %swap3A_168 : vector<1x16xf32> to vector<16xf32>
      %swap3A_170 = vector.shape_cast %add3A_165 : vector<16xf32> to vector<1x16xf32>
      tpu.vector_store %arg11[%swap3A_166, %swap3A_167], %swap3A_170 {strides = array<i32>} : memref<200x128xf32, #tpu.memory_space<vmem>>, vector<1x16xf32>,
      %get3A_171 = arith.index_cast %scan3A_130 : i32 to index
      %get3A_172 = arith.constant 48 : index
      %get3A_173 = tpu.vector_load %arg11[%get3A_171, %get3A_172] {strides = array<i32>} : memref<200x128xf32, #tpu.memory_space<vmem>>, vector<1x16xf32>,
      %get3A_174 = vector.shape_cast %get3A_173 : vector<1x16xf32> to vector<16xf32>
      %get3A_175 = arith.index_cast %scan3A_130 : i32 to index
      %get3A_176 = arith.constant 48 : index
      %get3A_177 = tpu.vector_load %arg10[%get3A_175, %get3A_176] {strides = array<i32>} : memref<200x128xf32, #tpu.memory_space<vmem>>, vector<1x16xf32>,
      %get3A_178 = vector.shape_cast %get3A_177 : vector<1x16xf32> to vector<16xf32>
      %add3A_179 = arith.addf %get3A_174, %get3A_178 : vector<16xf32>
      %swap3A_180 = arith.index_cast %scan3A_130 : i32 to index
      %swap3A_181 = arith.constant 48 : index
      %swap3A_182 = tpu.vector_load %arg11[%swap3A_180, %swap3A_181] {strides = array<i32>} : memref<200x128xf32, #tpu.memory_space<vmem>>, vector<1x16xf32>,
      %swap3A_183 = vector.shape_cast %swap3A_182 : vector<1x16xf32> to vector<16xf32>
      %swap3A_184 = vector.shape_cast %add3A_179 : vector<16xf32> to vector<1x16xf32>
      tpu.vector_store %arg11[%swap3A_180, %swap3A_181], %swap3A_184 {strides = array<i32>} : memref<200x128xf32, #tpu.memory_space<vmem>>, vector<1x16xf32>,
      %get3A_185 = arith.index_cast %scan3A_130 : i32 to index
      %get3A_186 = arith.constant 64 : index
      %get3A_187 = tpu.vector_load %arg11[%get3A_185, %get3A_186] {strides = array<i32>} : memref<200x128xf32, #tpu.memory_space<vmem>>, vector<1x16xf32>,
      %get3A_188 = vector.shape_cast %get3A_187 : vector<1x16xf32> to vector<16xf32>
      %get3A_189 = arith.index_cast %scan3A_130 : i32 to index
      %get3A_190 = arith.constant 64 : index
      %get3A_191 = tpu.vector_load %arg10[%get3A_189, %get3A_190] {strides = array<i32>} : memref<200x128xf32, #tpu.memory_space<vmem>>, vector<1x16xf32>,
      %get3A_192 = vector.shape_cast %get3A_191 : vector<1x16xf32> to vector<16xf32>
      %add3A_193 = arith.addf %get3A_188, %get3A_192 : vector<16xf32>
      %swap3A_194 = arith.index_cast %scan3A_130 : i32 to index
      %swap3A_195 = arith.constant 64 : index
      %swap3A_196 = tpu.vector_load %arg11[%swap3A_194, %swap3A_195] {strides = array<i32>} : memref<200x128xf32, #tpu.memory_space<vmem>>, vector<1x16xf32>,
      %swap3A_197 = vector.shape_cast %swap3A_196 : vector<1x16xf32> to vector<16xf32>
      %swap3A_198 = vector.shape_cast %add3A_193 : vector<16xf32> to vector<1x16xf32>
      tpu.vector_store %arg11[%swap3A_194, %swap3A_195], %swap3A_198 {strides = array<i32>} : memref<200x128xf32, #tpu.memory_space<vmem>>, vector<1x16xf32>,
      %get3A_199 = arith.index_cast %scan3A_130 : i32 to index
      %get3A_200 = arith.constant 80 : index
      %get3A_201 = tpu.vector_load %arg11[%get3A_199, %get3A_200] {strides = array<i32>} : memref<200x128xf32, #tpu.memory_space<vmem>>, vector<1x16xf32>,
      %get3A_202 = vector.shape_cast %get3A_201 : vector<1x16xf32> to vector<16xf32>
      %get3A_203 = arith.index_cast %scan3A_130 : i32 to index
      %get3A_204 = arith.constant 80 : index
      %get3A_205 = tpu.vector_load %arg10[%get3A_203, %get3A_204] {strides = array<i32>} : memref<200x128xf32, #tpu.memory_space<vmem>>, vector<1x16xf32>,
      %get3A_206 = vector.shape_cast %get3A_205 : vector<1x16xf32> to vector<16xf32>
      %add3A_207 = arith.addf %get3A_202, %get3A_206 : vector<16xf32>
      %swap3A_208 = arith.index_cast %scan3A_130 : i32 to index
      %swap3A_209 = arith.constant 80 : index
      %swap3A_210 = tpu.vector_load %arg11[%swap3A_208, %swap3A_209] {strides = array<i32>} : memref<200x128xf32, #tpu.memory_space<vmem>>, vector<1x16xf32>,
      %swap3A_211 = vector.shape_cast %swap3A_210 : vector<1x16xf32> to vector<16xf32>
      %swap3A_212 = vector.shape_cast %add3A_207 : vector<16xf32> to vector<1x16xf32>
      tpu.vector_store %arg11[%swap3A_208, %swap3A_209], %swap3A_212 {strides = array<i32>} : memref<200x128xf32, #tpu.memory_space<vmem>>, vector<1x16xf32>,
      %get3A_213 = arith.index_cast %scan3A_130 : i32 to index
      %get3A_214 = arith.constant 96 : index
      %get3A_215 = tpu.vector_load %arg11[%get3A_213, %get3A_214] {strides = array<i32>} : memref<200x128xf32, #tpu.memory_space<vmem>>, vector<1x16xf32>,
      %get3A_216 = vector.shape_cast %get3A_215 : vector<1x16xf32> to vector<16xf32>
      %get3A_217 = arith.index_cast %scan3A_130 : i32 to index
      %get3A_218 = arith.constant 96 : index
      %get3A_219 = tpu.vector_load %arg10[%get3A_217, %get3A_218] {strides = array<i32>} : memref<200x128xf32, #tpu.memory_space<vmem>>, vector<1x16xf32>,
      %get3A_220 = vector.shape_cast %get3A_219 : vector<1x16xf32> to vector<16xf32>
      %add3A_221 = arith.addf %get3A_216, %get3A_220 : vector<16xf32>
      %swap3A_222 = arith.index_cast %scan3A_130 : i32 to index
      %swap3A_223 = arith.constant 96 : index
      %swap3A_224 = tpu.vector_load %arg11[%swap3A_222, %swap3A_223] {strides = array<i32>} : memref<200x128xf32, #tpu.memory_space<vmem>>, vector<1x16xf32>,
      %swap3A_225 = vector.shape_cast %swap3A_224 : vector<1x16xf32> to vector<16xf32>
      %swap3A_226 = vector.shape_cast %add3A_221 : vector<16xf32> to vector<1x16xf32>
      tpu.vector_store %arg11[%swap3A_222, %swap3A_223], %swap3A_226 {strides = array<i32>} : memref<200x128xf32, #tpu.memory_space<vmem>>, vector<1x16xf32>,
      %get3A_227 = arith.index_cast %scan3A_130 : i32 to index
      %get3A_228 = arith.constant 112 : index
      %get3A_229 = tpu.vector_load %arg11[%get3A_227, %get3A_228] {strides = array<i32>} : memref<200x128xf32, #tpu.memory_space<vmem>>, vector<1x16xf32>,
      %get3A_230 = vector.shape_cast %get3A_229 : vector<1x16xf32> to vector<16xf32>
      %get3A_231 = arith.index_cast %scan3A_130 : i32 to index
      %get3A_232 = arith.constant 112 : index
      %get3A_233 = tpu.vector_load %arg10[%get3A_231, %get3A_232] {strides = array<i32>} : memref<200x128xf32, #tpu.memory_space<vmem>>, vector<1x16xf32>,
      %get3A_234 = vector.shape_cast %get3A_233 : vector<1x16xf32> to vector<16xf32>
      %add3A_235 = arith.addf %get3A_230, %get3A_234 : vector<16xf32>
      %swap3A_236 = arith.index_cast %scan3A_130 : i32 to index
      %swap3A_237 = arith.constant 112 : index
      %swap3A_238 = tpu.vector_load %arg11[%swap3A_236, %swap3A_237] {strides = array<i32>} : memref<200x128xf32, #tpu.memory_space<vmem>>, vector<1x16xf32>,
      %swap3A_239 = vector.shape_cast %swap3A_238 : vector<1x16xf32> to vector<16xf32>
      %swap3A_240 = vector.shape_cast %add3A_235 : vector<16xf32> to vector<1x16xf32>
      tpu.vector_store %arg11[%swap3A_236, %swap3A_237], %swap3A_240 {strides = array<i32>} : memref<200x128xf32, #tpu.memory_space<vmem>>, vector<1x16xf32>,
    }
    %scan3A_26 = arith.constant 200 : i32
    %add3A_27 = arith.constant 0 : i32
    %add3A_28 = arith.addi %mul3A_2, %add3A_27 : i32
    %dma_start3A_29 = arith.constant 0 : i32
    %dma_start3A_30 = tpu.memref_slice %arg5[%add3A_28, %dma_start3A_29] : memref<819200x128xf32, #tpu.memory_space<hbm>> -> memref<200x128xf32, #tpu.memory_space<hbm>>
    %dma_start3A_31 = arith.constant 0 : i32
    %dma_start3A_32 = tpu.memref_slice %arg5[%add3A_28, %dma_start3A_31] : memref<819200x128xf32, #tpu.memory_space<hbm>> -> memref<200x128xf32, #tpu.memory_space<hbm>>
    tpu.enqueue_dma source(%arg11 : memref<200x128xf32, #tpu.memory_space<vmem>>) target(%dma_start3A_32 : memref<200x128xf32, #tpu.memory_space<hbm>>) target_semaphore(%arg23 : memref<!tpu.dma_semaphore, #tpu.memory_space<semaphore_mem>>)
    %add3A_33 = arith.constant 800 : i32
    %add3A_34 = arith.addi %mul3A_2, %add3A_33 : i32
    %dma_start3A_35 = tpu.memref_slice %arg2[%add3A_34] : memref<819200xi32, #tpu.memory_space<hbm>> -> memref<200xi32, #tpu.memory_space<hbm>>
    %dma_start3A_36 = tpu.memref_slice %arg2[%add3A_34] : memref<819200xi32, #tpu.memory_space<hbm>> -> memref<200xi32, #tpu.memory_space<hbm>>
    tpu.enqueue_dma source(%dma_start3A_36 : memref<200xi32, #tpu.memory_space<hbm>>) target(%arg6 : memref<200xi32, #tpu.memory_space<vmem>>) target_semaphore(%arg15 : memref<!tpu.dma_semaphore, #tpu.memory_space<semaphore_mem>>)
    %add3A_37 = arith.constant 400 : i32
    %add3A_38 = arith.addi %mul3A_2, %add3A_37 : i32
    %dma_wait3A_39 = tpu.memref_slice %arg2[%add3A_38] : memref<819200xi32, #tpu.memory_space<hbm>> -> memref<200xi32, #tpu.memory_space<hbm>>
    %dma_wait3A_40 = tpu.memref_slice %arg2[%add3A_38] : memref<819200xi32, #tpu.memory_space<hbm>> -> memref<200xi32, #tpu.memory_space<hbm>>
    tpu.wait_dma2 semaphore(%arg17 : memref<!tpu.dma_semaphore, #tpu.memory_space<semaphore_mem>>) src(%dma_wait3A_40 : memref<200xi32, #tpu.memory_space<hbm>>) dst(%arg8 : memref<200xi32, #tpu.memory_space<vmem>>)
    %dma_start3A_41 = arith.constant 0 : i32
    %dma_start3A_42 = arith.constant 0 : i32
    %dma_start3A_43 = tpu.memref_slice %arg3[%dma_start3A_41, %dma_start3A_42] : memref<100000x128xf32, #tpu.memory_space<hbm>> -> memref<100000x128xf32, #tpu.memory_space<hbm>>
    tpu.enqueue_indirect_dma source(%dma_start3A_43 : memref<100000x128xf32, #tpu.memory_space<hbm>>) target(%arg13 : memref<200x128xf32, #tpu.memory_space<vmem>>) offsets(%arg8 : memref<200xi32, #tpu.memory_space<vmem>>) semaphore(%arg21 : memref<!tpu.dma_semaphore, #tpu.memory_space<semaphore_mem>>)
    %dma_wait3A_44 = arith.constant 0 : i32
    %dma_wait3A_45 = arith.constant 0 : i32
    %dma_wait3A_46 = tpu.memref_slice %arg3[%dma_wait3A_44, %dma_wait3A_45] : memref<100000x128xf32, #tpu.memory_space<hbm>> -> memref<100000x128xf32, #tpu.memory_space<hbm>>
    tpu.wait_indirect_dma semaphore(%arg20 : memref<!tpu.dma_semaphore, #tpu.memory_space<semaphore_mem>>) src(%dma_wait3A_46 : memref<100000x128xf32, #tpu.memory_space<hbm>>) dst(%arg12 : memref<200x128xf32, #tpu.memory_space<vmem>>)
    %scan3A_47 = arith.constant 0 : i32
    %scan3A_48 = arith.constant 0 : i32
    %scan3A_49 = arith.constant 200 : i32
    %scan3A_50 = arith.addi %scan3A_48, %scan3A_49 : i32
    %scan3A_51 = arith.constant 1 : i32
    scf.for %scan3A_130 = %scan3A_48 to %scan3A_50 step %scan3A_51  : i32 {
      %get3A = arith.index_cast %scan3A_130 : i32 to index
      %get3A_131 = arith.constant 0 : index
      %get3A_132 = tpu.vector_load %arg12[%get3A, %get3A_131] {strides = array<i32>} : memref<200x128xf32, #tpu.memory_space<vmem>>, vector<1x16xf32>,
      %get3A_133 = vector.shape_cast %get3A_132 : vector<1x16xf32> to vector<16xf32>
      %get3A_134 = arith.index_cast %scan3A_130 : i32 to index
      %get3A_135 = arith.constant 0 : index
      %get3A_136 = tpu.vector_load %arg10[%get3A_134, %get3A_135] {strides = array<i32>} : memref<200x128xf32, #tpu.memory_space<vmem>>, vector<1x16xf32>,
      %get3A_137 = vector.shape_cast %get3A_136 : vector<1x16xf32> to vector<16xf32>
      %add3A_138 = arith.addf %get3A_133, %get3A_137 : vector<16xf32>
      %swap3A = arith.index_cast %scan3A_130 : i32 to index
      %swap3A_139 = arith.constant 0 : index
      %swap3A_140 = tpu.vector_load %arg12[%swap3A, %swap3A_139] {strides = array<i32>} : memref<200x128xf32, #tpu.memory_space<vmem>>, vector<1x16xf32>,
      %swap3A_141 = vector.shape_cast %swap3A_140 : vector<1x16xf32> to vector<16xf32>
      %swap3A_142 = vector.shape_cast %add3A_138 : vector<16xf32> to vector<1x16xf32>
      tpu.vector_store %arg12[%swap3A, %swap3A_139], %swap3A_142 {strides = array<i32>} : memref<200x128xf32, #tpu.memory_space<vmem>>, vector<1x16xf32>,
      %get3A_143 = arith.index_cast %scan3A_130 : i32 to index
      %get3A_144 = arith.constant 16 : index
      %get3A_145 = tpu.vector_load %arg12[%get3A_143, %get3A_144] {strides = array<i32>} : memref<200x128xf32, #tpu.memory_space<vmem>>, vector<1x16xf32>,
      %get3A_146 = vector.shape_cast %get3A_145 : vector<1x16xf32> to vector<16xf32>
      %get3A_147 = arith.index_cast %scan3A_130 : i32 to index
      %get3A_148 = arith.constant 16 : index
      %get3A_149 = tpu.vector_load %arg10[%get3A_147, %get3A_148] {strides = array<i32>} : memref<200x128xf32, #tpu.memory_space<vmem>>, vector<1x16xf32>,
      %get3A_150 = vector.shape_cast %get3A_149 : vector<1x16xf32> to vector<16xf32>
      %add3A_151 = arith.addf %get3A_146, %get3A_150 : vector<16xf32>
      %swap3A_152 = arith.index_cast %scan3A_130 : i32 to index
      %swap3A_153 = arith.constant 16 : index
      %swap3A_154 = tpu.vector_load %arg12[%swap3A_152, %swap3A_153] {strides = array<i32>} : memref<200x128xf32, #tpu.memory_space<vmem>>, vector<1x16xf32>,
      %swap3A_155 = vector.shape_cast %swap3A_154 : vector<1x16xf32> to vector<16xf32>
      %swap3A_156 = vector.shape_cast %add3A_151 : vector<16xf32> to vector<1x16xf32>
      tpu.vector_store %arg12[%swap3A_152, %swap3A_153], %swap3A_156 {strides = array<i32>} : memref<200x128xf32, #tpu.memory_space<vmem>>, vector<1x16xf32>,
      %get3A_157 = arith.index_cast %scan3A_130 : i32 to index
      %get3A_158 = arith.constant 32 : index
      %get3A_159 = tpu.vector_load %arg12[%get3A_157, %get3A_158] {strides = array<i32>} : memref<200x128xf32, #tpu.memory_space<vmem>>, vector<1x16xf32>,
      %get3A_160 = vector.shape_cast %get3A_159 : vector<1x16xf32> to vector<16xf32>
      %get3A_161 = arith.index_cast %scan3A_130 : i32 to index
      %get3A_162 = arith.constant 32 : index
      %get3A_163 = tpu.vector_load %arg10[%get3A_161, %get3A_162] {strides = array<i32>} : memref<200x128xf32, #tpu.memory_space<vmem>>, vector<1x16xf32>,
      %get3A_164 = vector.shape_cast %get3A_163 : vector<1x16xf32> to vector<16xf32>
      %add3A_165 = arith.addf %get3A_160, %get3A_164 : vector<16xf32>
      %swap3A_166 = arith.index_cast %scan3A_130 : i32 to index
      %swap3A_167 = arith.constant 32 : index
      %swap3A_168 = tpu.vector_load %arg12[%swap3A_166, %swap3A_167] {strides = array<i32>} : memref<200x128xf32, #tpu.memory_space<vmem>>, vector<1x16xf32>,
      %swap3A_169 = vector.shape_cast %swap3A_168 : vector<1x16xf32> to vector<16xf32>
      %swap3A_170 = vector.shape_cast %add3A_165 : vector<16xf32> to vector<1x16xf32>
      tpu.vector_store %arg12[%swap3A_166, %swap3A_167], %swap3A_170 {strides = array<i32>} : memref<200x128xf32, #tpu.memory_space<vmem>>, vector<1x16xf32>,
      %get3A_171 = arith.index_cast %scan3A_130 : i32 to index
      %get3A_172 = arith.constant 48 : index
      %get3A_173 = tpu.vector_load %arg12[%get3A_171, %get3A_172] {strides = array<i32>} : memref<200x128xf32, #tpu.memory_space<vmem>>, vector<1x16xf32>,
      %get3A_174 = vector.shape_cast %get3A_173 : vector<1x16xf32> to vector<16xf32>
      %get3A_175 = arith.index_cast %scan3A_130 : i32 to index
      %get3A_176 = arith.constant 48 : index
      %get3A_177 = tpu.vector_load %arg10[%get3A_175, %get3A_176] {strides = array<i32>} : memref<200x128xf32, #tpu.memory_space<vmem>>, vector<1x16xf32>,
      %get3A_178 = vector.shape_cast %get3A_177 : vector<1x16xf32> to vector<16xf32>
      %add3A_179 = arith.addf %get3A_174, %get3A_178 : vector<16xf32>
      %swap3A_180 = arith.index_cast %scan3A_130 : i32 to index
      %swap3A_181 = arith.constant 48 : index
      %swap3A_182 = tpu.vector_load %arg12[%swap3A_180, %swap3A_181] {strides = array<i32>} : memref<200x128xf32, #tpu.memory_space<vmem>>, vector<1x16xf32>,
      %swap3A_183 = vector.shape_cast %swap3A_182 : vector<1x16xf32> to vector<16xf32>
      %swap3A_184 = vector.shape_cast %add3A_179 : vector<16xf32> to vector<1x16xf32>
      tpu.vector_store %arg12[%swap3A_180, %swap3A_181], %swap3A_184 {strides = array<i32>} : memref<200x128xf32, #tpu.memory_space<vmem>>, vector<1x16xf32>,
      %get3A_185 = arith.index_cast %scan3A_130 : i32 to index
      %get3A_186 = arith.constant 64 : index
      %get3A_187 = tpu.vector_load %arg12[%get3A_185, %get3A_186] {strides = array<i32>} : memref<200x128xf32, #tpu.memory_space<vmem>>, vector<1x16xf32>,
      %get3A_188 = vector.shape_cast %get3A_187 : vector<1x16xf32> to vector<16xf32>
      %get3A_189 = arith.index_cast %scan3A_130 : i32 to index
      %get3A_190 = arith.constant 64 : index
      %get3A_191 = tpu.vector_load %arg10[%get3A_189, %get3A_190] {strides = array<i32>} : memref<200x128xf32, #tpu.memory_space<vmem>>, vector<1x16xf32>,
      %get3A_192 = vector.shape_cast %get3A_191 : vector<1x16xf32> to vector<16xf32>
      %add3A_193 = arith.addf %get3A_188, %get3A_192 : vector<16xf32>
      %swap3A_194 = arith.index_cast %scan3A_130 : i32 to index
      %swap3A_195 = arith.constant 64 : index
      %swap3A_196 = tpu.vector_load %arg12[%swap3A_194, %swap3A_195] {strides = array<i32>} : memref<200x128xf32, #tpu.memory_space<vmem>>, vector<1x16xf32>,
      %swap3A_197 = vector.shape_cast %swap3A_196 : vector<1x16xf32> to vector<16xf32>
      %swap3A_198 = vector.shape_cast %add3A_193 : vector<16xf32> to vector<1x16xf32>
      tpu.vector_store %arg12[%swap3A_194, %swap3A_195], %swap3A_198 {strides = array<i32>} : memref<200x128xf32, #tpu.memory_space<vmem>>, vector<1x16xf32>,
      %get3A_199 = arith.index_cast %scan3A_130 : i32 to index
      %get3A_200 = arith.constant 80 : index
      %get3A_201 = tpu.vector_load %arg12[%get3A_199, %get3A_200] {strides = array<i32>} : memref<200x128xf32, #tpu.memory_space<vmem>>, vector<1x16xf32>,
      %get3A_202 = vector.shape_cast %get3A_201 : vector<1x16xf32> to vector<16xf32>
      %get3A_203 = arith.index_cast %scan3A_130 : i32 to index
      %get3A_204 = arith.constant 80 : index
      %get3A_205 = tpu.vector_load %arg10[%get3A_203, %get3A_204] {strides = array<i32>} : memref<200x128xf32, #tpu.memory_space<vmem>>, vector<1x16xf32>,
      %get3A_206 = vector.shape_cast %get3A_205 : vector<1x16xf32> to vector<16xf32>
      %add3A_207 = arith.addf %get3A_202, %get3A_206 : vector<16xf32>
      %swap3A_208 = arith.index_cast %scan3A_130 : i32 to index
      %swap3A_209 = arith.constant 80 : index
      %swap3A_210 = tpu.vector_load %arg12[%swap3A_208, %swap3A_209] {strides = array<i32>} : memref<200x128xf32, #tpu.memory_space<vmem>>, vector<1x16xf32>,
      %swap3A_211 = vector.shape_cast %swap3A_210 : vector<1x16xf32> to vector<16xf32>
      %swap3A_212 = vector.shape_cast %add3A_207 : vector<16xf32> to vector<1x16xf32>
      tpu.vector_store %arg12[%swap3A_208, %swap3A_209], %swap3A_212 {strides = array<i32>} : memref<200x128xf32, #tpu.memory_space<vmem>>, vector<1x16xf32>,
      %get3A_213 = arith.index_cast %scan3A_130 : i32 to index
      %get3A_214 = arith.constant 96 : index
      %get3A_215 = tpu.vector_load %arg12[%get3A_213, %get3A_214] {strides = array<i32>} : memref<200x128xf32, #tpu.memory_space<vmem>>, vector<1x16xf32>,
      %get3A_216 = vector.shape_cast %get3A_215 : vector<1x16xf32> to vector<16xf32>
      %get3A_217 = arith.index_cast %scan3A_130 : i32 to index
      %get3A_218 = arith.constant 96 : index
      %get3A_219 = tpu.vector_load %arg10[%get3A_217, %get3A_218] {strides = array<i32>} : memref<200x128xf32, #tpu.memory_space<vmem>>, vector<1x16xf32>,
      %get3A_220 = vector.shape_cast %get3A_219 : vector<1x16xf32> to vector<16xf32>
      %add3A_221 = arith.addf %get3A_216, %get3A_220 : vector<16xf32>
      %swap3A_222 = arith.index_cast %scan3A_130 : i32 to index
      %swap3A_223 = arith.constant 96 : index
      %swap3A_224 = tpu.vector_load %arg12[%swap3A_222, %swap3A_223] {strides = array<i32>} : memref<200x128xf32, #tpu.memory_space<vmem>>, vector<1x16xf32>,
      %swap3A_225 = vector.shape_cast %swap3A_224 : vector<1x16xf32> to vector<16xf32>
      %swap3A_226 = vector.shape_cast %add3A_221 : vector<16xf32> to vector<1x16xf32>
      tpu.vector_store %arg12[%swap3A_222, %swap3A_223], %swap3A_226 {strides = array<i32>} : memref<200x128xf32, #tpu.memory_space<vmem>>, vector<1x16xf32>,
      %get3A_227 = arith.index_cast %scan3A_130 : i32 to index
      %get3A_228 = arith.constant 112 : index
      %get3A_229 = tpu.vector_load %arg12[%get3A_227, %get3A_228] {strides = array<i32>} : memref<200x128xf32, #tpu.memory_space<vmem>>, vector<1x16xf32>,
      %get3A_230 = vector.shape_cast %get3A_229 : vector<1x16xf32> to vector<16xf32>
      %get3A_231 = arith.index_cast %scan3A_130 : i32 to index
      %get3A_232 = arith.constant 112 : index
      %get3A_233 = tpu.vector_load %arg10[%get3A_231, %get3A_232] {strides = array<i32>} : memref<200x128xf32, #tpu.memory_space<vmem>>, vector<1x16xf32>,
      %get3A_234 = vector.shape_cast %get3A_233 : vector<1x16xf32> to vector<16xf32>
      %add3A_235 = arith.addf %get3A_230, %get3A_234 : vector<16xf32>
      %swap3A_236 = arith.index_cast %scan3A_130 : i32 to index
      %swap3A_237 = arith.constant 112 : index
      %swap3A_238 = tpu.vector_load %arg12[%swap3A_236, %swap3A_237] {strides = array<i32>} : memref<200x128xf32, #tpu.memory_space<vmem>>, vector<1x16xf32>,
      %swap3A_239 = vector.shape_cast %swap3A_238 : vector<1x16xf32> to vector<16xf32>
      %swap3A_240 = vector.shape_cast %add3A_235 : vector<16xf32> to vector<1x16xf32>
      tpu.vector_store %arg12[%swap3A_236, %swap3A_237], %swap3A_240 {strides = array<i32>} : memref<200x128xf32, #tpu.memory_space<vmem>>, vector<1x16xf32>,
    }
    %scan3A_52 = arith.constant 200 : i32
    %add3A_53 = arith.constant 200 : i32
    %add3A_54 = arith.addi %mul3A_2, %add3A_53 : i32
    %dma_start3A_55 = arith.constant 0 : i32
    %dma_start3A_56 = tpu.memref_slice %arg5[%add3A_54, %dma_start3A_55] : memref<819200x128xf32, #tpu.memory_space<hbm>> -> memref<200x128xf32, #tpu.memory_space<hbm>>
    %dma_start3A_57 = arith.constant 0 : i32
    %dma_start3A_58 = tpu.memref_slice %arg5[%add3A_54, %dma_start3A_57] : memref<819200x128xf32, #tpu.memory_space<hbm>> -> memref<200x128xf32, #tpu.memory_space<hbm>>
    tpu.enqueue_dma source(%arg12 : memref<200x128xf32, #tpu.memory_space<vmem>>) target(%dma_start3A_58 : memref<200x128xf32, #tpu.memory_space<hbm>>) target_semaphore(%arg24 : memref<!tpu.dma_semaphore, #tpu.memory_space<semaphore_mem>>)
    %add3A_59 = arith.constant 1000 : i32
    %add3A_60 = arith.addi %mul3A_2, %add3A_59 : i32
    %dma_start3A_61 = tpu.memref_slice %arg2[%add3A_60] : memref<819200xi32, #tpu.memory_space<hbm>> -> memref<200xi32, #tpu.memory_space<hbm>>
    %dma_start3A_62 = tpu.memref_slice %arg2[%add3A_60] : memref<819200xi32, #tpu.memory_space<hbm>> -> memref<200xi32, #tpu.memory_space<hbm>>
    tpu.enqueue_dma source(%dma_start3A_62 : memref<200xi32, #tpu.memory_space<hbm>>) target(%arg7 : memref<200xi32, #tpu.memory_space<vmem>>) target_semaphore(%arg16 : memref<!tpu.dma_semaphore, #tpu.memory_space<semaphore_mem>>)
    %add3A_63 = arith.constant 600 : i32
    %add3A_64 = arith.addi %mul3A_2, %add3A_63 : i32
    %dma_wait3A_65 = tpu.memref_slice %arg2[%add3A_64] : memref<819200xi32, #tpu.memory_space<hbm>> -> memref<200xi32, #tpu.memory_space<hbm>>
    %dma_wait3A_66 = tpu.memref_slice %arg2[%add3A_64] : memref<819200xi32, #tpu.memory_space<hbm>> -> memref<200xi32, #tpu.memory_space<hbm>>
    tpu.wait_dma2 semaphore(%arg18 : memref<!tpu.dma_semaphore, #tpu.memory_space<semaphore_mem>>) src(%dma_wait3A_66 : memref<200xi32, #tpu.memory_space<hbm>>) dst(%arg9 : memref<200xi32, #tpu.memory_space<vmem>>)
    %dma_start3A_67 = arith.constant 0 : i32
    %dma_start3A_68 = arith.constant 0 : i32
    %dma_start3A_69 = tpu.memref_slice %arg3[%dma_start3A_67, %dma_start3A_68] : memref<100000x128xf32, #tpu.memory_space<hbm>> -> memref<100000x128xf32, #tpu.memory_space<hbm>>
    tpu.enqueue_indirect_dma source(%dma_start3A_69 : memref<100000x128xf32, #tpu.memory_space<hbm>>) target(%arg14 : memref<200x128xf32, #tpu.memory_space<vmem>>) offsets(%arg9 : memref<200xi32, #tpu.memory_space<vmem>>) semaphore(%arg22 : memref<!tpu.dma_semaphore, #tpu.memory_space<semaphore_mem>>)
    %scan3A_70 = arith.constant 0 : i32
    %scan3A_71 = arith.constant 0 : i32
    %scan3A_72 = arith.constant 31 : i32
    %scan3A_73 = arith.addi %scan3A_71, %scan3A_72 : i32
    %scan3A_74 = arith.constant 1 : i32
    scf.for %scan3A_130 = %scan3A_71 to %scan3A_73 step %scan3A_74  : i32 {
      %mul3A_131 = arith.constant 4 : i32
      %mul3A_132 = arith.muli %mul3A_131, %scan3A_130 : i32
      %add3A_133 = arith.constant 2 : i32
      %add3A_134 = arith.addi %add3A_133, %mul3A_132 : i32
      %add3A_135 = arith.constant 0 : i32
      %add3A_136 = arith.addi %add3A_134, %add3A_135 : i32
      %dma_wait3A_137 = arith.constant 0 : i32
      %dma_wait3A_138 = arith.constant 0 : i32
      %dma_wait3A_139 = tpu.memref_slice %arg3[%dma_wait3A_137, %dma_wait3A_138] : memref<100000x128xf32, #tpu.memory_space<hbm>> -> memref<100000x128xf32, #tpu.memory_space<hbm>>
      tpu.wait_indirect_dma semaphore(%arg21 : memref<!tpu.dma_semaphore, #tpu.memory_space<semaphore_mem>>) src(%dma_wait3A_139 : memref<100000x128xf32, #tpu.memory_space<hbm>>) dst(%arg13 : memref<200x128xf32, #tpu.memory_space<vmem>>)
      %scan3A_140 = arith.constant 0 : i32
      %scan3A_141 = arith.constant 0 : i32
      %scan3A_142 = arith.constant 200 : i32
      %scan3A_143 = arith.addi %scan3A_141, %scan3A_142 : i32
      %scan3A_144 = arith.constant 1 : i32
      scf.for %scan3A_272 = %scan3A_141 to %scan3A_143 step %scan3A_144  : i32 {
        %get3A = arith.index_cast %scan3A_272 : i32 to index
        %get3A_273 = arith.constant 0 : index
        %get3A_274 = tpu.vector_load %arg13[%get3A, %get3A_273] {strides = array<i32>} : memref<200x128xf32, #tpu.memory_space<vmem>>, vector<1x16xf32>,
        %get3A_275 = vector.shape_cast %get3A_274 : vector<1x16xf32> to vector<16xf32>
        %get3A_276 = arith.index_cast %scan3A_272 : i32 to index
        %get3A_277 = arith.constant 0 : index
        %get3A_278 = tpu.vector_load %arg10[%get3A_276, %get3A_277] {strides = array<i32>} : memref<200x128xf32, #tpu.memory_space<vmem>>, vector<1x16xf32>,
        %get3A_279 = vector.shape_cast %get3A_278 : vector<1x16xf32> to vector<16xf32>
        %add3A_280 = arith.addf %get3A_275, %get3A_279 : vector<16xf32>
        %swap3A = arith.index_cast %scan3A_272 : i32 to index
        %swap3A_281 = arith.constant 0 : index
        %swap3A_282 = tpu.vector_load %arg13[%swap3A, %swap3A_281] {strides = array<i32>} : memref<200x128xf32, #tpu.memory_space<vmem>>, vector<1x16xf32>,
        %swap3A_283 = vector.shape_cast %swap3A_282 : vector<1x16xf32> to vector<16xf32>
        %swap3A_284 = vector.shape_cast %add3A_280 : vector<16xf32> to vector<1x16xf32>
        tpu.vector_store %arg13[%swap3A, %swap3A_281], %swap3A_284 {strides = array<i32>} : memref<200x128xf32, #tpu.memory_space<vmem>>, vector<1x16xf32>,
        %get3A_285 = arith.index_cast %scan3A_272 : i32 to index
        %get3A_286 = arith.constant 16 : index
        %get3A_287 = tpu.vector_load %arg13[%get3A_285, %get3A_286] {strides = array<i32>} : memref<200x128xf32, #tpu.memory_space<vmem>>, vector<1x16xf32>,
        %get3A_288 = vector.shape_cast %get3A_287 : vector<1x16xf32> to vector<16xf32>
        %get3A_289 = arith.index_cast %scan3A_272 : i32 to index
        %get3A_290 = arith.constant 16 : index
        %get3A_291 = tpu.vector_load %arg10[%get3A_289, %get3A_290] {strides = array<i32>} : memref<200x128xf32, #tpu.memory_space<vmem>>, vector<1x16xf32>,
        %get3A_292 = vector.shape_cast %get3A_291 : vector<1x16xf32> to vector<16xf32>
        %add3A_293 = arith.addf %get3A_288, %get3A_292 : vector<16xf32>
        %swap3A_294 = arith.index_cast %scan3A_272 : i32 to index
        %swap3A_295 = arith.constant 16 : index
        %swap3A_296 = tpu.vector_load %arg13[%swap3A_294, %swap3A_295] {strides = array<i32>} : memref<200x128xf32, #tpu.memory_space<vmem>>, vector<1x16xf32>,
        %swap3A_297 = vector.shape_cast %swap3A_296 : vector<1x16xf32> to vector<16xf32>
        %swap3A_298 = vector.shape_cast %add3A_293 : vector<16xf32> to vector<1x16xf32>
        tpu.vector_store %arg13[%swap3A_294, %swap3A_295], %swap3A_298 {strides = array<i32>} : memref<200x128xf32, #tpu.memory_space<vmem>>, vector<1x16xf32>,
        %get3A_299 = arith.index_cast %scan3A_272 : i32 to index
        %get3A_300 = arith.constant 32 : index
        %get3A_301 = tpu.vector_load %arg13[%get3A_299, %get3A_300] {strides = array<i32>} : memref<200x128xf32, #tpu.memory_space<vmem>>, vector<1x16xf32>,
        %get3A_302 = vector.shape_cast %get3A_301 : vector<1x16xf32> to vector<16xf32>
        %get3A_303 = arith.index_cast %scan3A_272 : i32 to index
        %get3A_304 = arith.constant 32 : index
        %get3A_305 = tpu.vector_load %arg10[%get3A_303, %get3A_304] {strides = array<i32>} : memref<200x128xf32, #tpu.memory_space<vmem>>, vector<1x16xf32>,
        %get3A_306 = vector.shape_cast %get3A_305 : vector<1x16xf32> to vector<16xf32>
        %add3A_307 = arith.addf %get3A_302, %get3A_306 : vector<16xf32>
        %swap3A_308 = arith.index_cast %scan3A_272 : i32 to index
        %swap3A_309 = arith.constant 32 : index
        %swap3A_310 = tpu.vector_load %arg13[%swap3A_308, %swap3A_309] {strides = array<i32>} : memref<200x128xf32, #tpu.memory_space<vmem>>, vector<1x16xf32>,
        %swap3A_311 = vector.shape_cast %swap3A_310 : vector<1x16xf32> to vector<16xf32>
        %swap3A_312 = vector.shape_cast %add3A_307 : vector<16xf32> to vector<1x16xf32>
        tpu.vector_store %arg13[%swap3A_308, %swap3A_309], %swap3A_312 {strides = array<i32>} : memref<200x128xf32, #tpu.memory_space<vmem>>, vector<1x16xf32>,
        %get3A_313 = arith.index_cast %scan3A_272 : i32 to index
        %get3A_314 = arith.constant 48 : index
        %get3A_315 = tpu.vector_load %arg13[%get3A_313, %get3A_314] {strides = array<i32>} : memref<200x128xf32, #tpu.memory_space<vmem>>, vector<1x16xf32>,
        %get3A_316 = vector.shape_cast %get3A_315 : vector<1x16xf32> to vector<16xf32>
        %get3A_317 = arith.index_cast %scan3A_272 : i32 to index
        %get3A_318 = arith.constant 48 : index
        %get3A_319 = tpu.vector_load %arg10[%get3A_317, %get3A_318] {strides = array<i32>} : memref<200x128xf32, #tpu.memory_space<vmem>>, vector<1x16xf32>,
        %get3A_320 = vector.shape_cast %get3A_319 : vector<1x16xf32> to vector<16xf32>
        %add3A_321 = arith.addf %get3A_316, %get3A_320 : vector<16xf32>
        %swap3A_322 = arith.index_cast %scan3A_272 : i32 to index
        %swap3A_323 = arith.constant 48 : index
        %swap3A_324 = tpu.vector_load %arg13[%swap3A_322, %swap3A_323] {strides = array<i32>} : memref<200x128xf32, #tpu.memory_space<vmem>>, vector<1x16xf32>,
        %swap3A_325 = vector.shape_cast %swap3A_324 : vector<1x16xf32> to vector<16xf32>
        %swap3A_326 = vector.shape_cast %add3A_321 : vector<16xf32> to vector<1x16xf32>
        tpu.vector_store %arg13[%swap3A_322, %swap3A_323], %swap3A_326 {strides = array<i32>} : memref<200x128xf32, #tpu.memory_space<vmem>>, vector<1x16xf32>,
        %get3A_327 = arith.index_cast %scan3A_272 : i32 to index
        %get3A_328 = arith.constant 64 : index
        %get3A_329 = tpu.vector_load %arg13[%get3A_327, %get3A_328] {strides = array<i32>} : memref<200x128xf32, #tpu.memory_space<vmem>>, vector<1x16xf32>,
        %get3A_330 = vector.shape_cast %get3A_329 : vector<1x16xf32> to vector<16xf32>
        %get3A_331 = arith.index_cast %scan3A_272 : i32 to index
        %get3A_332 = arith.constant 64 : index
        %get3A_333 = tpu.vector_load %arg10[%get3A_331, %get3A_332] {strides = array<i32>} : memref<200x128xf32, #tpu.memory_space<vmem>>, vector<1x16xf32>,
        %get3A_334 = vector.shape_cast %get3A_333 : vector<1x16xf32> to vector<16xf32>
        %add3A_335 = arith.addf %get3A_330, %get3A_334 : vector<16xf32>
        %swap3A_336 = arith.index_cast %scan3A_272 : i32 to index
        %swap3A_337 = arith.constant 64 : index
        %swap3A_338 = tpu.vector_load %arg13[%swap3A_336, %swap3A_337] {strides = array<i32>} : memref<200x128xf32, #tpu.memory_space<vmem>>, vector<1x16xf32>,
        %swap3A_339 = vector.shape_cast %swap3A_338 : vector<1x16xf32> to vector<16xf32>
        %swap3A_340 = vector.shape_cast %add3A_335 : vector<16xf32> to vector<1x16xf32>
        tpu.vector_store %arg13[%swap3A_336, %swap3A_337], %swap3A_340 {strides = array<i32>} : memref<200x128xf32, #tpu.memory_space<vmem>>, vector<1x16xf32>,
        %get3A_341 = arith.index_cast %scan3A_272 : i32 to index
        %get3A_342 = arith.constant 80 : index
        %get3A_343 = tpu.vector_load %arg13[%get3A_341, %get3A_342] {strides = array<i32>} : memref<200x128xf32, #tpu.memory_space<vmem>>, vector<1x16xf32>,
        %get3A_344 = vector.shape_cast %get3A_343 : vector<1x16xf32> to vector<16xf32>
        %get3A_345 = arith.index_cast %scan3A_272 : i32 to index
        %get3A_346 = arith.constant 80 : index
        %get3A_347 = tpu.vector_load %arg10[%get3A_345, %get3A_346] {strides = array<i32>} : memref<200x128xf32, #tpu.memory_space<vmem>>, vector<1x16xf32>,
        %get3A_348 = vector.shape_cast %get3A_347 : vector<1x16xf32> to vector<16xf32>
        %add3A_349 = arith.addf %get3A_344, %get3A_348 : vector<16xf32>
        %swap3A_350 = arith.index_cast %scan3A_272 : i32 to index
        %swap3A_351 = arith.constant 80 : index
        %swap3A_352 = tpu.vector_load %arg13[%swap3A_350, %swap3A_351] {strides = array<i32>} : memref<200x128xf32, #tpu.memory_space<vmem>>, vector<1x16xf32>,
        %swap3A_353 = vector.shape_cast %swap3A_352 : vector<1x16xf32> to vector<16xf32>
        %swap3A_354 = vector.shape_cast %add3A_349 : vector<16xf32> to vector<1x16xf32>
        tpu.vector_store %arg13[%swap3A_350, %swap3A_351], %swap3A_354 {strides = array<i32>} : memref<200x128xf32, #tpu.memory_space<vmem>>, vector<1x16xf32>,
        %get3A_355 = arith.index_cast %scan3A_272 : i32 to index
        %get3A_356 = arith.constant 96 : index
        %get3A_357 = tpu.vector_load %arg13[%get3A_355, %get3A_356] {strides = array<i32>} : memref<200x128xf32, #tpu.memory_space<vmem>>, vector<1x16xf32>,
        %get3A_358 = vector.shape_cast %get3A_357 : vector<1x16xf32> to vector<16xf32>
        %get3A_359 = arith.index_cast %scan3A_272 : i32 to index
        %get3A_360 = arith.constant 96 : index
        %get3A_361 = tpu.vector_load %arg10[%get3A_359, %get3A_360] {strides = array<i32>} : memref<200x128xf32, #tpu.memory_space<vmem>>, vector<1x16xf32>,
        %get3A_362 = vector.shape_cast %get3A_361 : vector<1x16xf32> to vector<16xf32>
        %add3A_363 = arith.addf %get3A_358, %get3A_362 : vector<16xf32>
        %swap3A_364 = arith.index_cast %scan3A_272 : i32 to index
        %swap3A_365 = arith.constant 96 : index
        %swap3A_366 = tpu.vector_load %arg13[%swap3A_364, %swap3A_365] {strides = array<i32>} : memref<200x128xf32, #tpu.memory_space<vmem>>, vector<1x16xf32>,
        %swap3A_367 = vector.shape_cast %swap3A_366 : vector<1x16xf32> to vector<16xf32>
        %swap3A_368 = vector.shape_cast %add3A_363 : vector<16xf32> to vector<1x16xf32>
        tpu.vector_store %arg13[%swap3A_364, %swap3A_365], %swap3A_368 {strides = array<i32>} : memref<200x128xf32, #tpu.memory_space<vmem>>, vector<1x16xf32>,
        %get3A_369 = arith.index_cast %scan3A_272 : i32 to index
        %get3A_370 = arith.constant 112 : index
        %get3A_371 = tpu.vector_load %arg13[%get3A_369, %get3A_370] {strides = array<i32>} : memref<200x128xf32, #tpu.memory_space<vmem>>, vector<1x16xf32>,
        %get3A_372 = vector.shape_cast %get3A_371 : vector<1x16xf32> to vector<16xf32>
        %get3A_373 = arith.index_cast %scan3A_272 : i32 to index
        %get3A_374 = arith.constant 112 : index
        %get3A_375 = tpu.vector_load %arg10[%get3A_373, %get3A_374] {strides = array<i32>} : memref<200x128xf32, #tpu.memory_space<vmem>>, vector<1x16xf32>,
        %get3A_376 = vector.shape_cast %get3A_375 : vector<1x16xf32> to vector<16xf32>
        %add3A_377 = arith.addf %get3A_372, %get3A_376 : vector<16xf32>
        %swap3A_378 = arith.index_cast %scan3A_272 : i32 to index
        %swap3A_379 = arith.constant 112 : index
        %swap3A_380 = tpu.vector_load %arg13[%swap3A_378, %swap3A_379] {strides = array<i32>} : memref<200x128xf32, #tpu.memory_space<vmem>>, vector<1x16xf32>,
        %swap3A_381 = vector.shape_cast %swap3A_380 : vector<1x16xf32> to vector<16xf32>
        %swap3A_382 = vector.shape_cast %add3A_377 : vector<16xf32> to vector<1x16xf32>
        tpu.vector_store %arg13[%swap3A_378, %swap3A_379], %swap3A_382 {strides = array<i32>} : memref<200x128xf32, #tpu.memory_space<vmem>>, vector<1x16xf32>,
      }
      %scan3A_145 = arith.constant 200 : i32
      %mul3A_146 = arith.constant 200 : i32
      %mul3A_147 = arith.muli %add3A_136, %mul3A_146 : i32
      %add3A_148 = arith.addi %mul3A_2, %mul3A_147 : i32
      %dma_start3A_149 = arith.constant 0 : i32
      %dma_start3A_150 = tpu.memref_slice %arg5[%add3A_148, %dma_start3A_149] : memref<819200x128xf32, #tpu.memory_space<hbm>> -> memref<200x128xf32, #tpu.memory_space<hbm>>
      %dma_start3A_151 = arith.constant 0 : i32
      %dma_start3A_152 = tpu.memref_slice %arg5[%add3A_148, %dma_start3A_151] : memref<819200x128xf32, #tpu.memory_space<hbm>> -> memref<200x128xf32, #tpu.memory_space<hbm>>
      tpu.enqueue_dma source(%arg13 : memref<200x128xf32, #tpu.memory_space<vmem>>) target(%dma_start3A_152 : memref<200x128xf32, #tpu.memory_space<hbm>>) target_semaphore(%arg25 : memref<!tpu.dma_semaphore, #tpu.memory_space<semaphore_mem>>)
      %add3A_153 = arith.constant 4 : i32
      %add3A_154 = arith.addi %add3A_136, %add3A_153 : i32
      %lt3A = arith.constant 128 : i32
      %lt3A_155 = arith.cmpi slt, %add3A_154, %lt3A : i32
      %convert_element_type3A = arith.extui %lt3A_155 : i1 to i32
      %cond3A = arith.constant 0 : i32
      %cond3A_156 = arith.cmpi ne, %convert_element_type3A, %cond3A : i32
      scf.if %cond3A_156 {
        %add3A_272 = arith.constant 4 : i32
        %add3A_273 = arith.addi %add3A_136, %add3A_272 : i32
        %mul3A_274 = arith.constant 200 : i32
        %mul3A_275 = arith.muli %add3A_273, %mul3A_274 : i32
        %add3A_276 = arith.addi %mul3A_2, %mul3A_275 : i32
        %dma_start3A_277 = tpu.memref_slice %arg2[%add3A_276] : memref<819200xi32, #tpu.memory_space<hbm>> -> memref<200xi32, #tpu.memory_space<hbm>>
        %dma_start3A_278 = tpu.memref_slice %arg2[%add3A_276] : memref<819200xi32, #tpu.memory_space<hbm>> -> memref<200xi32, #tpu.memory_space<hbm>>
        tpu.enqueue_dma source(%dma_start3A_278 : memref<200xi32, #tpu.memory_space<hbm>>) target(%arg8 : memref<200xi32, #tpu.memory_space<vmem>>) target_semaphore(%arg17 : memref<!tpu.dma_semaphore, #tpu.memory_space<semaphore_mem>>)
      } else {
      }
      %add3A_157 = arith.constant 2 : i32
      %add3A_158 = arith.addi %add3A_136, %add3A_157 : i32
      %lt3A_159 = arith.constant 128 : i32
      %lt3A_160 = arith.cmpi slt, %add3A_158, %lt3A_159 : i32
      %convert_element_type3A_161 = arith.extui %lt3A_160 : i1 to i32
      %cond3A_162 = arith.constant 0 : i32
      %cond3A_163 = arith.cmpi ne, %convert_element_type3A_161, %cond3A_162 : i32
      scf.if %cond3A_163 {
        %add3A_272 = arith.constant 2 : i32
        %add3A_273 = arith.addi %add3A_136, %add3A_272 : i32
        %mul3A_274 = arith.constant 200 : i32
        %mul3A_275 = arith.muli %add3A_273, %mul3A_274 : i32
        %add3A_276 = arith.addi %mul3A_2, %mul3A_275 : i32
        %dma_wait3A_277 = tpu.memref_slice %arg2[%add3A_276] : memref<819200xi32, #tpu.memory_space<hbm>> -> memref<200xi32, #tpu.memory_space<hbm>>
        %dma_wait3A_278 = tpu.memref_slice %arg2[%add3A_276] : memref<819200xi32, #tpu.memory_space<hbm>> -> memref<200xi32, #tpu.memory_space<hbm>>
        tpu.wait_dma2 semaphore(%arg15 : memref<!tpu.dma_semaphore, #tpu.memory_space<semaphore_mem>>) src(%dma_wait3A_278 : memref<200xi32, #tpu.memory_space<hbm>>) dst(%arg6 : memref<200xi32, #tpu.memory_space<vmem>>)
        %sub3A = arith.constant 2 : i32
        %sub3A_279 = arith.subi %add3A_136, %sub3A : i32
        %mul3A_280 = arith.constant 200 : i32
        %mul3A_281 = arith.muli %sub3A_279, %mul3A_280 : i32
        %add3A_282 = arith.addi %mul3A_2, %mul3A_281 : i32
        %dma_wait3A_283 = arith.constant 0 : i32
        %dma_wait3A_284 = tpu.memref_slice %arg5[%add3A_282, %dma_wait3A_283] : memref<819200x128xf32, #tpu.memory_space<hbm>> -> memref<200x128xf32, #tpu.memory_space<hbm>>
        %dma_wait3A_285 = arith.constant 0 : i32
        %dma_wait3A_286 = tpu.memref_slice %arg5[%add3A_282, %dma_wait3A_285] : memref<819200x128xf32, #tpu.memory_space<hbm>> -> memref<200x128xf32, #tpu.memory_space<hbm>>
        tpu.wait_dma2 semaphore(%arg23 : memref<!tpu.dma_semaphore, #tpu.memory_space<semaphore_mem>>) src(%arg11 : memref<200x128xf32, #tpu.memory_space<vmem>>) dst(%dma_wait3A_286 : memref<200x128xf32, #tpu.memory_space<hbm>>)
        %dma_start3A_287 = arith.constant 0 : i32
        %dma_start3A_288 = arith.constant 0 : i32
        %dma_start3A_289 = tpu.memref_slice %arg3[%dma_start3A_287, %dma_start3A_288] : memref<100000x128xf32, #tpu.memory_space<hbm>> -> memref<100000x128xf32, #tpu.memory_space<hbm>>
        tpu.enqueue_indirect_dma source(%dma_start3A_289 : memref<100000x128xf32, #tpu.memory_space<hbm>>) target(%arg11 : memref<200x128xf32, #tpu.memory_space<vmem>>) offsets(%arg6 : memref<200xi32, #tpu.memory_space<vmem>>) semaphore(%arg19 : memref<!tpu.dma_semaphore, #tpu.memory_space<semaphore_mem>>)
      } else {
      }
      %mul3A_164 = arith.constant 4 : i32
      %mul3A_165 = arith.muli %mul3A_164, %scan3A_130 : i32
      %add3A_166 = arith.constant 2 : i32
      %add3A_167 = arith.addi %add3A_166, %mul3A_165 : i32
      %add3A_168 = arith.constant 1 : i32
      %add3A_169 = arith.addi %add3A_167, %add3A_168 : i32
      %dma_wait3A_170 = arith.constant 0 : i32
      %dma_wait3A_171 = arith.constant 0 : i32
      %dma_wait3A_172 = tpu.memref_slice %arg3[%dma_wait3A_170, %dma_wait3A_171] : memref<100000x128xf32, #tpu.memory_space<hbm>> -> memref<100000x128xf32, #tpu.memory_space<hbm>>
      tpu.wait_indirect_dma semaphore(%arg22 : memref<!tpu.dma_semaphore, #tpu.memory_space<semaphore_mem>>) src(%dma_wait3A_172 : memref<100000x128xf32, #tpu.memory_space<hbm>>) dst(%arg14 : memref<200x128xf32, #tpu.memory_space<vmem>>)
      %scan3A_173 = arith.constant 0 : i32
      %scan3A_174 = arith.constant 0 : i32
      %scan3A_175 = arith.constant 200 : i32
      %scan3A_176 = arith.addi %scan3A_174, %scan3A_175 : i32
      %scan3A_177 = arith.constant 1 : i32
      scf.for %scan3A_272 = %scan3A_174 to %scan3A_176 step %scan3A_177  : i32 {
        %get3A = arith.index_cast %scan3A_272 : i32 to index
        %get3A_273 = arith.constant 0 : index
        %get3A_274 = tpu.vector_load %arg14[%get3A, %get3A_273] {strides = array<i32>} : memref<200x128xf32, #tpu.memory_space<vmem>>, vector<1x16xf32>,
        %get3A_275 = vector.shape_cast %get3A_274 : vector<1x16xf32> to vector<16xf32>
        %get3A_276 = arith.index_cast %scan3A_272 : i32 to index
        %get3A_277 = arith.constant 0 : index
        %get3A_278 = tpu.vector_load %arg10[%get3A_276, %get3A_277] {strides = array<i32>} : memref<200x128xf32, #tpu.memory_space<vmem>>, vector<1x16xf32>,
        %get3A_279 = vector.shape_cast %get3A_278 : vector<1x16xf32> to vector<16xf32>
        %add3A_280 = arith.addf %get3A_275, %get3A_279 : vector<16xf32>
        %swap3A = arith.index_cast %scan3A_272 : i32 to index
        %swap3A_281 = arith.constant 0 : index
        %swap3A_282 = tpu.vector_load %arg14[%swap3A, %swap3A_281] {strides = array<i32>} : memref<200x128xf32, #tpu.memory_space<vmem>>, vector<1x16xf32>,
        %swap3A_283 = vector.shape_cast %swap3A_282 : vector<1x16xf32> to vector<16xf32>
        %swap3A_284 = vector.shape_cast %add3A_280 : vector<16xf32> to vector<1x16xf32>
        tpu.vector_store %arg14[%swap3A, %swap3A_281], %swap3A_284 {strides = array<i32>} : memref<200x128xf32, #tpu.memory_space<vmem>>, vector<1x16xf32>,
        %get3A_285 = arith.index_cast %scan3A_272 : i32 to index
        %get3A_286 = arith.constant 16 : index
        %get3A_287 = tpu.vector_load %arg14[%get3A_285, %get3A_286] {strides = array<i32>} : memref<200x128xf32, #tpu.memory_space<vmem>>, vector<1x16xf32>,
        %get3A_288 = vector.shape_cast %get3A_287 : vector<1x16xf32> to vector<16xf32>
        %get3A_289 = arith.index_cast %scan3A_272 : i32 to index
        %get3A_290 = arith.constant 16 : index
        %get3A_291 = tpu.vector_load %arg10[%get3A_289, %get3A_290] {strides = array<i32>} : memref<200x128xf32, #tpu.memory_space<vmem>>, vector<1x16xf32>,
        %get3A_292 = vector.shape_cast %get3A_291 : vector<1x16xf32> to vector<16xf32>
        %add3A_293 = arith.addf %get3A_288, %get3A_292 : vector<16xf32>
        %swap3A_294 = arith.index_cast %scan3A_272 : i32 to index
        %swap3A_295 = arith.constant 16 : index
        %swap3A_296 = tpu.vector_load %arg14[%swap3A_294, %swap3A_295] {strides = array<i32>} : memref<200x128xf32, #tpu.memory_space<vmem>>, vector<1x16xf32>,
        %swap3A_297 = vector.shape_cast %swap3A_296 : vector<1x16xf32> to vector<16xf32>
        %swap3A_298 = vector.shape_cast %add3A_293 : vector<16xf32> to vector<1x16xf32>
        tpu.vector_store %arg14[%swap3A_294, %swap3A_295], %swap3A_298 {strides = array<i32>} : memref<200x128xf32, #tpu.memory_space<vmem>>, vector<1x16xf32>,
        %get3A_299 = arith.index_cast %scan3A_272 : i32 to index
        %get3A_300 = arith.constant 32 : index
        %get3A_301 = tpu.vector_load %arg14[%get3A_299, %get3A_300] {strides = array<i32>} : memref<200x128xf32, #tpu.memory_space<vmem>>, vector<1x16xf32>,
        %get3A_302 = vector.shape_cast %get3A_301 : vector<1x16xf32> to vector<16xf32>
        %get3A_303 = arith.index_cast %scan3A_272 : i32 to index
        %get3A_304 = arith.constant 32 : index
        %get3A_305 = tpu.vector_load %arg10[%get3A_303, %get3A_304] {strides = array<i32>} : memref<200x128xf32, #tpu.memory_space<vmem>>, vector<1x16xf32>,
        %get3A_306 = vector.shape_cast %get3A_305 : vector<1x16xf32> to vector<16xf32>
        %add3A_307 = arith.addf %get3A_302, %get3A_306 : vector<16xf32>
        %swap3A_308 = arith.index_cast %scan3A_272 : i32 to index
        %swap3A_309 = arith.constant 32 : index
        %swap3A_310 = tpu.vector_load %arg14[%swap3A_308, %swap3A_309] {strides = array<i32>} : memref<200x128xf32, #tpu.memory_space<vmem>>, vector<1x16xf32>,
        %swap3A_311 = vector.shape_cast %swap3A_310 : vector<1x16xf32> to vector<16xf32>
        %swap3A_312 = vector.shape_cast %add3A_307 : vector<16xf32> to vector<1x16xf32>
        tpu.vector_store %arg14[%swap3A_308, %swap3A_309], %swap3A_312 {strides = array<i32>} : memref<200x128xf32, #tpu.memory_space<vmem>>, vector<1x16xf32>,
        %get3A_313 = arith.index_cast %scan3A_272 : i32 to index
        %get3A_314 = arith.constant 48 : index
        %get3A_315 = tpu.vector_load %arg14[%get3A_313, %get3A_314] {strides = array<i32>} : memref<200x128xf32, #tpu.memory_space<vmem>>, vector<1x16xf32>,
        %get3A_316 = vector.shape_cast %get3A_315 : vector<1x16xf32> to vector<16xf32>
        %get3A_317 = arith.index_cast %scan3A_272 : i32 to index
        %get3A_318 = arith.constant 48 : index
        %get3A_319 = tpu.vector_load %arg10[%get3A_317, %get3A_318] {strides = array<i32>} : memref<200x128xf32, #tpu.memory_space<vmem>>, vector<1x16xf32>,
        %get3A_320 = vector.shape_cast %get3A_319 : vector<1x16xf32> to vector<16xf32>
        %add3A_321 = arith.addf %get3A_316, %get3A_320 : vector<16xf32>
        %swap3A_322 = arith.index_cast %scan3A_272 : i32 to index
        %swap3A_323 = arith.constant 48 : index
        %swap3A_324 = tpu.vector_load %arg14[%swap3A_322, %swap3A_323] {strides = array<i32>} : memref<200x128xf32, #tpu.memory_space<vmem>>, vector<1x16xf32>,
        %swap3A_325 = vector.shape_cast %swap3A_324 : vector<1x16xf32> to vector<16xf32>
        %swap3A_326 = vector.shape_cast %add3A_321 : vector<16xf32> to vector<1x16xf32>
        tpu.vector_store %arg14[%swap3A_322, %swap3A_323], %swap3A_326 {strides = array<i32>} : memref<200x128xf32, #tpu.memory_space<vmem>>, vector<1x16xf32>,
        %get3A_327 = arith.index_cast %scan3A_272 : i32 to index
        %get3A_328 = arith.constant 64 : index
        %get3A_329 = tpu.vector_load %arg14[%get3A_327, %get3A_328] {strides = array<i32>} : memref<200x128xf32, #tpu.memory_space<vmem>>, vector<1x16xf32>,
        %get3A_330 = vector.shape_cast %get3A_329 : vector<1x16xf32> to vector<16xf32>
        %get3A_331 = arith.index_cast %scan3A_272 : i32 to index
        %get3A_332 = arith.constant 64 : index
        %get3A_333 = tpu.vector_load %arg10[%get3A_331, %get3A_332] {strides = array<i32>} : memref<200x128xf32, #tpu.memory_space<vmem>>, vector<1x16xf32>,
        %get3A_334 = vector.shape_cast %get3A_333 : vector<1x16xf32> to vector<16xf32>
        %add3A_335 = arith.addf %get3A_330, %get3A_334 : vector<16xf32>
        %swap3A_336 = arith.index_cast %scan3A_272 : i32 to index
        %swap3A_337 = arith.constant 64 : index
        %swap3A_338 = tpu.vector_load %arg14[%swap3A_336, %swap3A_337] {strides = array<i32>} : memref<200x128xf32, #tpu.memory_space<vmem>>, vector<1x16xf32>,
        %swap3A_339 = vector.shape_cast %swap3A_338 : vector<1x16xf32> to vector<16xf32>
        %swap3A_340 = vector.shape_cast %add3A_335 : vector<16xf32> to vector<1x16xf32>
        tpu.vector_store %arg14[%swap3A_336, %swap3A_337], %swap3A_340 {strides = array<i32>} : memref<200x128xf32, #tpu.memory_space<vmem>>, vector<1x16xf32>,
        %get3A_341 = arith.index_cast %scan3A_272 : i32 to index
        %get3A_342 = arith.constant 80 : index
        %get3A_343 = tpu.vector_load %arg14[%get3A_341, %get3A_342] {strides = array<i32>} : memref<200x128xf32, #tpu.memory_space<vmem>>, vector<1x16xf32>,
        %get3A_344 = vector.shape_cast %get3A_343 : vector<1x16xf32> to vector<16xf32>
        %get3A_345 = arith.index_cast %scan3A_272 : i32 to index
        %get3A_346 = arith.constant 80 : index
        %get3A_347 = tpu.vector_load %arg10[%get3A_345, %get3A_346] {strides = array<i32>} : memref<200x128xf32, #tpu.memory_space<vmem>>, vector<1x16xf32>,
        %get3A_348 = vector.shape_cast %get3A_347 : vector<1x16xf32> to vector<16xf32>
        %add3A_349 = arith.addf %get3A_344, %get3A_348 : vector<16xf32>
        %swap3A_350 = arith.index_cast %scan3A_272 : i32 to index
        %swap3A_351 = arith.constant 80 : index
        %swap3A_352 = tpu.vector_load %arg14[%swap3A_350, %swap3A_351] {strides = array<i32>} : memref<200x128xf32, #tpu.memory_space<vmem>>, vector<1x16xf32>,
        %swap3A_353 = vector.shape_cast %swap3A_352 : vector<1x16xf32> to vector<16xf32>
        %swap3A_354 = vector.shape_cast %add3A_349 : vector<16xf32> to vector<1x16xf32>
        tpu.vector_store %arg14[%swap3A_350, %swap3A_351], %swap3A_354 {strides = array<i32>} : memref<200x128xf32, #tpu.memory_space<vmem>>, vector<1x16xf32>,
        %get3A_355 = arith.index_cast %scan3A_272 : i32 to index
        %get3A_356 = arith.constant 96 : index
        %get3A_357 = tpu.vector_load %arg14[%get3A_355, %get3A_356] {strides = array<i32>} : memref<200x128xf32, #tpu.memory_space<vmem>>, vector<1x16xf32>,
        %get3A_358 = vector.shape_cast %get3A_357 : vector<1x16xf32> to vector<16xf32>
        %get3A_359 = arith.index_cast %scan3A_272 : i32 to index
        %get3A_360 = arith.constant 96 : index
        %get3A_361 = tpu.vector_load %arg10[%get3A_359, %get3A_360] {strides = array<i32>} : memref<200x128xf32, #tpu.memory_space<vmem>>, vector<1x16xf32>,
        %get3A_362 = vector.shape_cast %get3A_361 : vector<1x16xf32> to vector<16xf32>
        %add3A_363 = arith.addf %get3A_358, %get3A_362 : vector<16xf32>
        %swap3A_364 = arith.index_cast %scan3A_272 : i32 to index
        %swap3A_365 = arith.constant 96 : index
        %swap3A_366 = tpu.vector_load %arg14[%swap3A_364, %swap3A_365] {strides = array<i32>} : memref<200x128xf32, #tpu.memory_space<vmem>>, vector<1x16xf32>,
        %swap3A_367 = vector.shape_cast %swap3A_366 : vector<1x16xf32> to vector<16xf32>
        %swap3A_368 = vector.shape_cast %add3A_363 : vector<16xf32> to vector<1x16xf32>
        tpu.vector_store %arg14[%swap3A_364, %swap3A_365], %swap3A_368 {strides = array<i32>} : memref<200x128xf32, #tpu.memory_space<vmem>>, vector<1x16xf32>,
        %get3A_369 = arith.index_cast %scan3A_272 : i32 to index
        %get3A_370 = arith.constant 112 : index
        %get3A_371 = tpu.vector_load %arg14[%get3A_369, %get3A_370] {strides = array<i32>} : memref<200x128xf32, #tpu.memory_space<vmem>>, vector<1x16xf32>,
        %get3A_372 = vector.shape_cast %get3A_371 : vector<1x16xf32> to vector<16xf32>
        %get3A_373 = arith.index_cast %scan3A_272 : i32 to index
        %get3A_374 = arith.constant 112 : index
        %get3A_375 = tpu.vector_load %arg10[%get3A_373, %get3A_374] {strides = array<i32>} : memref<200x128xf32, #tpu.memory_space<vmem>>, vector<1x16xf32>,
        %get3A_376 = vector.shape_cast %get3A_375 : vector<1x16xf32> to vector<16xf32>
        %add3A_377 = arith.addf %get3A_372, %get3A_376 : vector<16xf32>
        %swap3A_378 = arith.index_cast %scan3A_272 : i32 to index
        %swap3A_379 = arith.constant 112 : index
        %swap3A_380 = tpu.vector_load %arg14[%swap3A_378, %swap3A_379] {strides = array<i32>} : memref<200x128xf32, #tpu.memory_space<vmem>>, vector<1x16xf32>,
        %swap3A_381 = vector.shape_cast %swap3A_380 : vector<1x16xf32> to vector<16xf32>
        %swap3A_382 = vector.shape_cast %add3A_377 : vector<16xf32> to vector<1x16xf32>
        tpu.vector_store %arg14[%swap3A_378, %swap3A_379], %swap3A_382 {strides = array<i32>} : memref<200x128xf32, #tpu.memory_space<vmem>>, vector<1x16xf32>,
      }
      %scan3A_178 = arith.constant 200 : i32
      %mul3A_179 = arith.constant 200 : i32
      %mul3A_180 = arith.muli %add3A_169, %mul3A_179 : i32
      %add3A_181 = arith.addi %mul3A_2, %mul3A_180 : i32
      %dma_start3A_182 = arith.constant 0 : i32
      %dma_start3A_183 = tpu.memref_slice %arg5[%add3A_181, %dma_start3A_182] : memref<819200x128xf32, #tpu.memory_space<hbm>> -> memref<200x128xf32, #tpu.memory_space<hbm>>
      %dma_start3A_184 = arith.constant 0 : i32
      %dma_start3A_185 = tpu.memref_slice %arg5[%add3A_181, %dma_start3A_184] : memref<819200x128xf32, #tpu.memory_space<hbm>> -> memref<200x128xf32, #tpu.memory_space<hbm>>
      tpu.enqueue_dma source(%arg14 : memref<200x128xf32, #tpu.memory_space<vmem>>) target(%dma_start3A_185 : memref<200x128xf32, #tpu.memory_space<hbm>>) target_semaphore(%arg26 : memref<!tpu.dma_semaphore, #tpu.memory_space<semaphore_mem>>)
      %add3A_186 = arith.constant 4 : i32
      %add3A_187 = arith.addi %add3A_169, %add3A_186 : i32
      %lt3A_188 = arith.constant 128 : i32
      %lt3A_189 = arith.cmpi slt, %add3A_187, %lt3A_188 : i32
      %convert_element_type3A_190 = arith.extui %lt3A_189 : i1 to i32
      %cond3A_191 = arith.constant 0 : i32
      %cond3A_192 = arith.cmpi ne, %convert_element_type3A_190, %cond3A_191 : i32
      scf.if %cond3A_192 {
        %add3A_272 = arith.constant 4 : i32
        %add3A_273 = arith.addi %add3A_169, %add3A_272 : i32
        %mul3A_274 = arith.constant 200 : i32
        %mul3A_275 = arith.muli %add3A_273, %mul3A_274 : i32
        %add3A_276 = arith.addi %mul3A_2, %mul3A_275 : i32
        %dma_start3A_277 = tpu.memref_slice %arg2[%add3A_276] : memref<819200xi32, #tpu.memory_space<hbm>> -> memref<200xi32, #tpu.memory_space<hbm>>
        %dma_start3A_278 = tpu.memref_slice %arg2[%add3A_276] : memref<819200xi32, #tpu.memory_space<hbm>> -> memref<200xi32, #tpu.memory_space<hbm>>
        tpu.enqueue_dma source(%dma_start3A_278 : memref<200xi32, #tpu.memory_space<hbm>>) target(%arg9 : memref<200xi32, #tpu.memory_space<vmem>>) target_semaphore(%arg18 : memref<!tpu.dma_semaphore, #tpu.memory_space<semaphore_mem>>)
      } else {
      }
      %add3A_193 = arith.constant 2 : i32
      %add3A_194 = arith.addi %add3A_169, %add3A_193 : i32
      %lt3A_195 = arith.constant 128 : i32
      %lt3A_196 = arith.cmpi slt, %add3A_194, %lt3A_195 : i32
      %convert_element_type3A_197 = arith.extui %lt3A_196 : i1 to i32
      %cond3A_198 = arith.constant 0 : i32
      %cond3A_199 = arith.cmpi ne, %convert_element_type3A_197, %cond3A_198 : i32
      scf.if %cond3A_199 {
        %add3A_272 = arith.constant 2 : i32
        %add3A_273 = arith.addi %add3A_169, %add3A_272 : i32
        %mul3A_274 = arith.constant 200 : i32
        %mul3A_275 = arith.muli %add3A_273, %mul3A_274 : i32
        %add3A_276 = arith.addi %mul3A_2, %mul3A_275 : i32
        %dma_wait3A_277 = tpu.memref_slice %arg2[%add3A_276] : memref<819200xi32, #tpu.memory_space<hbm>> -> memref<200xi32, #tpu.memory_space<hbm>>
        %dma_wait3A_278 = tpu.memref_slice %arg2[%add3A_276] : memref<819200xi32, #tpu.memory_space<hbm>> -> memref<200xi32, #tpu.memory_space<hbm>>
        tpu.wait_dma2 semaphore(%arg16 : memref<!tpu.dma_semaphore, #tpu.memory_space<semaphore_mem>>) src(%dma_wait3A_278 : memref<200xi32, #tpu.memory_space<hbm>>) dst(%arg7 : memref<200xi32, #tpu.memory_space<vmem>>)
        %sub3A = arith.constant 2 : i32
        %sub3A_279 = arith.subi %add3A_169, %sub3A : i32
        %mul3A_280 = arith.constant 200 : i32
        %mul3A_281 = arith.muli %sub3A_279, %mul3A_280 : i32
        %add3A_282 = arith.addi %mul3A_2, %mul3A_281 : i32
        %dma_wait3A_283 = arith.constant 0 : i32
        %dma_wait3A_284 = tpu.memref_slice %arg5[%add3A_282, %dma_wait3A_283] : memref<819200x128xf32, #tpu.memory_space<hbm>> -> memref<200x128xf32, #tpu.memory_space<hbm>>
        %dma_wait3A_285 = arith.constant 0 : i32
        %dma_wait3A_286 = tpu.memref_slice %arg5[%add3A_282, %dma_wait3A_285] : memref<819200x128xf32, #tpu.memory_space<hbm>> -> memref<200x128xf32, #tpu.memory_space<hbm>>
        tpu.wait_dma2 semaphore(%arg24 : memref<!tpu.dma_semaphore, #tpu.memory_space<semaphore_mem>>) src(%arg12 : memref<200x128xf32, #tpu.memory_space<vmem>>) dst(%dma_wait3A_286 : memref<200x128xf32, #tpu.memory_space<hbm>>)
        %dma_start3A_287 = arith.constant 0 : i32
        %dma_start3A_288 = arith.constant 0 : i32
        %dma_start3A_289 = tpu.memref_slice %arg3[%dma_start3A_287, %dma_start3A_288] : memref<100000x128xf32, #tpu.memory_space<hbm>> -> memref<100000x128xf32, #tpu.memory_space<hbm>>
        tpu.enqueue_indirect_dma source(%dma_start3A_289 : memref<100000x128xf32, #tpu.memory_space<hbm>>) target(%arg12 : memref<200x128xf32, #tpu.memory_space<vmem>>) offsets(%arg7 : memref<200xi32, #tpu.memory_space<vmem>>) semaphore(%arg20 : memref<!tpu.dma_semaphore, #tpu.memory_space<semaphore_mem>>)
      } else {
      }
      %mul3A_200 = arith.constant 4 : i32
      %mul3A_201 = arith.muli %mul3A_200, %scan3A_130 : i32
      %add3A_202 = arith.constant 2 : i32
      %add3A_203 = arith.addi %add3A_202, %mul3A_201 : i32
      %add3A_204 = arith.constant 2 : i32
      %add3A_205 = arith.addi %add3A_203, %add3A_204 : i32
      %dma_wait3A_206 = arith.constant 0 : i32
      %dma_wait3A_207 = arith.constant 0 : i32
      %dma_wait3A_208 = tpu.memref_slice %arg3[%dma_wait3A_206, %dma_wait3A_207] : memref<100000x128xf32, #tpu.memory_space<hbm>> -> memref<100000x128xf32, #tpu.memory_space<hbm>>
      tpu.wait_indirect_dma semaphore(%arg19 : memref<!tpu.dma_semaphore, #tpu.memory_space<semaphore_mem>>) src(%dma_wait3A_208 : memref<100000x128xf32, #tpu.memory_space<hbm>>) dst(%arg11 : memref<200x128xf32, #tpu.memory_space<vmem>>)
      %scan3A_209 = arith.constant 0 : i32
      %scan3A_210 = arith.constant 0 : i32
      %scan3A_211 = arith.constant 200 : i32
      %scan3A_212 = arith.addi %scan3A_210, %scan3A_211 : i32
      %scan3A_213 = arith.constant 1 : i32
      scf.for %scan3A_272 = %scan3A_210 to %scan3A_212 step %scan3A_213  : i32 {
        %get3A = arith.index_cast %scan3A_272 : i32 to index
        %get3A_273 = arith.constant 0 : index
        %get3A_274 = tpu.vector_load %arg11[%get3A, %get3A_273] {strides = array<i32>} : memref<200x128xf32, #tpu.memory_space<vmem>>, vector<1x16xf32>,
        %get3A_275 = vector.shape_cast %get3A_274 : vector<1x16xf32> to vector<16xf32>
        %get3A_276 = arith.index_cast %scan3A_272 : i32 to index
        %get3A_277 = arith.constant 0 : index
        %get3A_278 = tpu.vector_load %arg10[%get3A_276, %get3A_277] {strides = array<i32>} : memref<200x128xf32, #tpu.memory_space<vmem>>, vector<1x16xf32>,
        %get3A_279 = vector.shape_cast %get3A_278 : vector<1x16xf32> to vector<16xf32>
        %add3A_280 = arith.addf %get3A_275, %get3A_279 : vector<16xf32>
        %swap3A = arith.index_cast %scan3A_272 : i32 to index
        %swap3A_281 = arith.constant 0 : index
        %swap3A_282 = tpu.vector_load %arg11[%swap3A, %swap3A_281] {strides = array<i32>} : memref<200x128xf32, #tpu.memory_space<vmem>>, vector<1x16xf32>,
        %swap3A_283 = vector.shape_cast %swap3A_282 : vector<1x16xf32> to vector<16xf32>
        %swap3A_284 = vector.shape_cast %add3A_280 : vector<16xf32> to vector<1x16xf32>
        tpu.vector_store %arg11[%swap3A, %swap3A_281], %swap3A_284 {strides = array<i32>} : memref<200x128xf32, #tpu.memory_space<vmem>>, vector<1x16xf32>,
        %get3A_285 = arith.index_cast %scan3A_272 : i32 to index
        %get3A_286 = arith.constant 16 : index
        %get3A_287 = tpu.vector_load %arg11[%get3A_285, %get3A_286] {strides = array<i32>} : memref<200x128xf32, #tpu.memory_space<vmem>>, vector<1x16xf32>,
        %get3A_288 = vector.shape_cast %get3A_287 : vector<1x16xf32> to vector<16xf32>
        %get3A_289 = arith.index_cast %scan3A_272 : i32 to index
        %get3A_290 = arith.constant 16 : index
        %get3A_291 = tpu.vector_load %arg10[%get3A_289, %get3A_290] {strides = array<i32>} : memref<200x128xf32, #tpu.memory_space<vmem>>, vector<1x16xf32>,
        %get3A_292 = vector.shape_cast %get3A_291 : vector<1x16xf32> to vector<16xf32>
        %add3A_293 = arith.addf %get3A_288, %get3A_292 : vector<16xf32>
        %swap3A_294 = arith.index_cast %scan3A_272 : i32 to index
        %swap3A_295 = arith.constant 16 : index
        %swap3A_296 = tpu.vector_load %arg11[%swap3A_294, %swap3A_295] {strides = array<i32>} : memref<200x128xf32, #tpu.memory_space<vmem>>, vector<1x16xf32>,
        %swap3A_297 = vector.shape_cast %swap3A_296 : vector<1x16xf32> to vector<16xf32>
        %swap3A_298 = vector.shape_cast %add3A_293 : vector<16xf32> to vector<1x16xf32>
        tpu.vector_store %arg11[%swap3A_294, %swap3A_295], %swap3A_298 {strides = array<i32>} : memref<200x128xf32, #tpu.memory_space<vmem>>, vector<1x16xf32>,
        %get3A_299 = arith.index_cast %scan3A_272 : i32 to index
        %get3A_300 = arith.constant 32 : index
        %get3A_301 = tpu.vector_load %arg11[%get3A_299, %get3A_300] {strides = array<i32>} : memref<200x128xf32, #tpu.memory_space<vmem>>, vector<1x16xf32>,
        %get3A_302 = vector.shape_cast %get3A_301 : vector<1x16xf32> to vector<16xf32>
        %get3A_303 = arith.index_cast %scan3A_272 : i32 to index
        %get3A_304 = arith.constant 32 : index
        %get3A_305 = tpu.vector_load %arg10[%get3A_303, %get3A_304] {strides = array<i32>} : memref<200x128xf32, #tpu.memory_space<vmem>>, vector<1x16xf32>,
        %get3A_306 = vector.shape_cast %get3A_305 : vector<1x16xf32> to vector<16xf32>
        %add3A_307 = arith.addf %get3A_302, %get3A_306 : vector<16xf32>
        %swap3A_308 = arith.index_cast %scan3A_272 : i32 to index
        %swap3A_309 = arith.constant 32 : index
        %swap3A_310 = tpu.vector_load %arg11[%swap3A_308, %swap3A_309] {strides = array<i32>} : memref<200x128xf32, #tpu.memory_space<vmem>>, vector<1x16xf32>,
        %swap3A_311 = vector.shape_cast %swap3A_310 : vector<1x16xf32> to vector<16xf32>
        %swap3A_312 = vector.shape_cast %add3A_307 : vector<16xf32> to vector<1x16xf32>
        tpu.vector_store %arg11[%swap3A_308, %swap3A_309], %swap3A_312 {strides = array<i32>} : memref<200x128xf32, #tpu.memory_space<vmem>>, vector<1x16xf32>,
        %get3A_313 = arith.index_cast %scan3A_272 : i32 to index
        %get3A_314 = arith.constant 48 : index
        %get3A_315 = tpu.vector_load %arg11[%get3A_313, %get3A_314] {strides = array<i32>} : memref<200x128xf32, #tpu.memory_space<vmem>>, vector<1x16xf32>,
        %get3A_316 = vector.shape_cast %get3A_315 : vector<1x16xf32> to vector<16xf32>
        %get3A_317 = arith.index_cast %scan3A_272 : i32 to index
        %get3A_318 = arith.constant 48 : index
        %get3A_319 = tpu.vector_load %arg10[%get3A_317, %get3A_318] {strides = array<i32>} : memref<200x128xf32, #tpu.memory_space<vmem>>, vector<1x16xf32>,
        %get3A_320 = vector.shape_cast %get3A_319 : vector<1x16xf32> to vector<16xf32>
        %add3A_321 = arith.addf %get3A_316, %get3A_320 : vector<16xf32>
        %swap3A_322 = arith.index_cast %scan3A_272 : i32 to index
        %swap3A_323 = arith.constant 48 : index
        %swap3A_324 = tpu.vector_load %arg11[%swap3A_322, %swap3A_323] {strides = array<i32>} : memref<200x128xf32, #tpu.memory_space<vmem>>, vector<1x16xf32>,
        %swap3A_325 = vector.shape_cast %swap3A_324 : vector<1x16xf32> to vector<16xf32>
        %swap3A_326 = vector.shape_cast %add3A_321 : vector<16xf32> to vector<1x16xf32>
        tpu.vector_store %arg11[%swap3A_322, %swap3A_323], %swap3A_326 {strides = array<i32>} : memref<200x128xf32, #tpu.memory_space<vmem>>, vector<1x16xf32>,
        %get3A_327 = arith.index_cast %scan3A_272 : i32 to index
        %get3A_328 = arith.constant 64 : index
        %get3A_329 = tpu.vector_load %arg11[%get3A_327, %get3A_328] {strides = array<i32>} : memref<200x128xf32, #tpu.memory_space<vmem>>, vector<1x16xf32>,
        %get3A_330 = vector.shape_cast %get3A_329 : vector<1x16xf32> to vector<16xf32>
        %get3A_331 = arith.index_cast %scan3A_272 : i32 to index
        %get3A_332 = arith.constant 64 : index
        %get3A_333 = tpu.vector_load %arg10[%get3A_331, %get3A_332] {strides = array<i32>} : memref<200x128xf32, #tpu.memory_space<vmem>>, vector<1x16xf32>,
        %get3A_334 = vector.shape_cast %get3A_333 : vector<1x16xf32> to vector<16xf32>
        %add3A_335 = arith.addf %get3A_330, %get3A_334 : vector<16xf32>
        %swap3A_336 = arith.index_cast %scan3A_272 : i32 to index
        %swap3A_337 = arith.constant 64 : index
        %swap3A_338 = tpu.vector_load %arg11[%swap3A_336, %swap3A_337] {strides = array<i32>} : memref<200x128xf32, #tpu.memory_space<vmem>>, vector<1x16xf32>,
        %swap3A_339 = vector.shape_cast %swap3A_338 : vector<1x16xf32> to vector<16xf32>
        %swap3A_340 = vector.shape_cast %add3A_335 : vector<16xf32> to vector<1x16xf32>
        tpu.vector_store %arg11[%swap3A_336, %swap3A_337], %swap3A_340 {strides = array<i32>} : memref<200x128xf32, #tpu.memory_space<vmem>>, vector<1x16xf32>,
        %get3A_341 = arith.index_cast %scan3A_272 : i32 to index
        %get3A_342 = arith.constant 80 : index
        %get3A_343 = tpu.vector_load %arg11[%get3A_341, %get3A_342] {strides = array<i32>} : memref<200x128xf32, #tpu.memory_space<vmem>>, vector<1x16xf32>,
        %get3A_344 = vector.shape_cast %get3A_343 : vector<1x16xf32> to vector<16xf32>
        %get3A_345 = arith.index_cast %scan3A_272 : i32 to index
        %get3A_346 = arith.constant 80 : index
        %get3A_347 = tpu.vector_load %arg10[%get3A_345, %get3A_346] {strides = array<i32>} : memref<200x128xf32, #tpu.memory_space<vmem>>, vector<1x16xf32>,
        %get3A_348 = vector.shape_cast %get3A_347 : vector<1x16xf32> to vector<16xf32>
        %add3A_349 = arith.addf %get3A_344, %get3A_348 : vector<16xf32>
        %swap3A_350 = arith.index_cast %scan3A_272 : i32 to index
        %swap3A_351 = arith.constant 80 : index
        %swap3A_352 = tpu.vector_load %arg11[%swap3A_350, %swap3A_351] {strides = array<i32>} : memref<200x128xf32, #tpu.memory_space<vmem>>, vector<1x16xf32>,
        %swap3A_353 = vector.shape_cast %swap3A_352 : vector<1x16xf32> to vector<16xf32>
        %swap3A_354 = vector.shape_cast %add3A_349 : vector<16xf32> to vector<1x16xf32>
        tpu.vector_store %arg11[%swap3A_350, %swap3A_351], %swap3A_354 {strides = array<i32>} : memref<200x128xf32, #tpu.memory_space<vmem>>, vector<1x16xf32>,
        %get3A_355 = arith.index_cast %scan3A_272 : i32 to index
        %get3A_356 = arith.constant 96 : index
        %get3A_357 = tpu.vector_load %arg11[%get3A_355, %get3A_356] {strides = array<i32>} : memref<200x128xf32, #tpu.memory_space<vmem>>, vector<1x16xf32>,
        %get3A_358 = vector.shape_cast %get3A_357 : vector<1x16xf32> to vector<16xf32>
        %get3A_359 = arith.index_cast %scan3A_272 : i32 to index
        %get3A_360 = arith.constant 96 : index
        %get3A_361 = tpu.vector_load %arg10[%get3A_359, %get3A_360] {strides = array<i32>} : memref<200x128xf32, #tpu.memory_space<vmem>>, vector<1x16xf32>,
        %get3A_362 = vector.shape_cast %get3A_361 : vector<1x16xf32> to vector<16xf32>
        %add3A_363 = arith.addf %get3A_358, %get3A_362 : vector<16xf32>
        %swap3A_364 = arith.index_cast %scan3A_272 : i32 to index
        %swap3A_365 = arith.constant 96 : index
        %swap3A_366 = tpu.vector_load %arg11[%swap3A_364, %swap3A_365] {strides = array<i32>} : memref<200x128xf32, #tpu.memory_space<vmem>>, vector<1x16xf32>,
        %swap3A_367 = vector.shape_cast %swap3A_366 : vector<1x16xf32> to vector<16xf32>
        %swap3A_368 = vector.shape_cast %add3A_363 : vector<16xf32> to vector<1x16xf32>
        tpu.vector_store %arg11[%swap3A_364, %swap3A_365], %swap3A_368 {strides = array<i32>} : memref<200x128xf32, #tpu.memory_space<vmem>>, vector<1x16xf32>,
        %get3A_369 = arith.index_cast %scan3A_272 : i32 to index
        %get3A_370 = arith.constant 112 : index
        %get3A_371 = tpu.vector_load %arg11[%get3A_369, %get3A_370] {strides = array<i32>} : memref<200x128xf32, #tpu.memory_space<vmem>>, vector<1x16xf32>,
        %get3A_372 = vector.shape_cast %get3A_371 : vector<1x16xf32> to vector<16xf32>
        %get3A_373 = arith.index_cast %scan3A_272 : i32 to index
        %get3A_374 = arith.constant 112 : index
        %get3A_375 = tpu.vector_load %arg10[%get3A_373, %get3A_374] {strides = array<i32>} : memref<200x128xf32, #tpu.memory_space<vmem>>, vector<1x16xf32>,
        %get3A_376 = vector.shape_cast %get3A_375 : vector<1x16xf32> to vector<16xf32>
        %add3A_377 = arith.addf %get3A_372, %get3A_376 : vector<16xf32>
        %swap3A_378 = arith.index_cast %scan3A_272 : i32 to index
        %swap3A_379 = arith.constant 112 : index
        %swap3A_380 = tpu.vector_load %arg11[%swap3A_378, %swap3A_379] {strides = array<i32>} : memref<200x128xf32, #tpu.memory_space<vmem>>, vector<1x16xf32>,
        %swap3A_381 = vector.shape_cast %swap3A_380 : vector<1x16xf32> to vector<16xf32>
        %swap3A_382 = vector.shape_cast %add3A_377 : vector<16xf32> to vector<1x16xf32>
        tpu.vector_store %arg11[%swap3A_378, %swap3A_379], %swap3A_382 {strides = array<i32>} : memref<200x128xf32, #tpu.memory_space<vmem>>, vector<1x16xf32>,
      }
      %scan3A_214 = arith.constant 200 : i32
      %mul3A_215 = arith.constant 200 : i32
      %mul3A_216 = arith.muli %add3A_205, %mul3A_215 : i32
      %add3A_217 = arith.addi %mul3A_2, %mul3A_216 : i32
      %dma_start3A_218 = arith.constant 0 : i32
      %dma_start3A_219 = tpu.memref_slice %arg5[%add3A_217, %dma_start3A_218] : memref<819200x128xf32, #tpu.memory_space<hbm>> -> memref<200x128xf32, #tpu.memory_space<hbm>>
      %dma_start3A_220 = arith.constant 0 : i32
      %dma_start3A_221 = tpu.memref_slice %arg5[%add3A_217, %dma_start3A_220] : memref<819200x128xf32, #tpu.memory_space<hbm>> -> memref<200x128xf32, #tpu.memory_space<hbm>>
      tpu.enqueue_dma source(%arg11 : memref<200x128xf32, #tpu.memory_space<vmem>>) target(%dma_start3A_221 : memref<200x128xf32, #tpu.memory_space<hbm>>) target_semaphore(%arg23 : memref<!tpu.dma_semaphore, #tpu.memory_space<semaphore_mem>>)
      %add3A_222 = arith.constant 4 : i32
      %add3A_223 = arith.addi %add3A_205, %add3A_222 : i32
      %lt3A_224 = arith.constant 128 : i32
      %lt3A_225 = arith.cmpi slt, %add3A_223, %lt3A_224 : i32
      %convert_element_type3A_226 = arith.extui %lt3A_225 : i1 to i32
      %cond3A_227 = arith.constant 0 : i32
      %cond3A_228 = arith.cmpi ne, %convert_element_type3A_226, %cond3A_227 : i32
      scf.if %cond3A_228 {
        %add3A_272 = arith.constant 4 : i32
        %add3A_273 = arith.addi %add3A_205, %add3A_272 : i32
        %mul3A_274 = arith.constant 200 : i32
        %mul3A_275 = arith.muli %add3A_273, %mul3A_274 : i32
        %add3A_276 = arith.addi %mul3A_2, %mul3A_275 : i32
        %dma_start3A_277 = tpu.memref_slice %arg2[%add3A_276] : memref<819200xi32, #tpu.memory_space<hbm>> -> memref<200xi32, #tpu.memory_space<hbm>>
        %dma_start3A_278 = tpu.memref_slice %arg2[%add3A_276] : memref<819200xi32, #tpu.memory_space<hbm>> -> memref<200xi32, #tpu.memory_space<hbm>>
        tpu.enqueue_dma source(%dma_start3A_278 : memref<200xi32, #tpu.memory_space<hbm>>) target(%arg6 : memref<200xi32, #tpu.memory_space<vmem>>) target_semaphore(%arg15 : memref<!tpu.dma_semaphore, #tpu.memory_space<semaphore_mem>>)
      } else {
      }
      %add3A_229 = arith.constant 2 : i32
      %add3A_230 = arith.addi %add3A_205, %add3A_229 : i32
      %lt3A_231 = arith.constant 128 : i32
      %lt3A_232 = arith.cmpi slt, %add3A_230, %lt3A_231 : i32
      %convert_element_type3A_233 = arith.extui %lt3A_232 : i1 to i32
      %cond3A_234 = arith.constant 0 : i32
      %cond3A_235 = arith.cmpi ne, %convert_element_type3A_233, %cond3A_234 : i32
      scf.if %cond3A_235 {
        %add3A_272 = arith.constant 2 : i32
        %add3A_273 = arith.addi %add3A_205, %add3A_272 : i32
        %mul3A_274 = arith.constant 200 : i32
        %mul3A_275 = arith.muli %add3A_273, %mul3A_274 : i32
        %add3A_276 = arith.addi %mul3A_2, %mul3A_275 : i32
        %dma_wait3A_277 = tpu.memref_slice %arg2[%add3A_276] : memref<819200xi32, #tpu.memory_space<hbm>> -> memref<200xi32, #tpu.memory_space<hbm>>
        %dma_wait3A_278 = tpu.memref_slice %arg2[%add3A_276] : memref<819200xi32, #tpu.memory_space<hbm>> -> memref<200xi32, #tpu.memory_space<hbm>>
        tpu.wait_dma2 semaphore(%arg17 : memref<!tpu.dma_semaphore, #tpu.memory_space<semaphore_mem>>) src(%dma_wait3A_278 : memref<200xi32, #tpu.memory_space<hbm>>) dst(%arg8 : memref<200xi32, #tpu.memory_space<vmem>>)
        %sub3A = arith.constant 2 : i32
        %sub3A_279 = arith.subi %add3A_205, %sub3A : i32
        %mul3A_280 = arith.constant 200 : i32
        %mul3A_281 = arith.muli %sub3A_279, %mul3A_280 : i32
        %add3A_282 = arith.addi %mul3A_2, %mul3A_281 : i32
        %dma_wait3A_283 = arith.constant 0 : i32
        %dma_wait3A_284 = tpu.memref_slice %arg5[%add3A_282, %dma_wait3A_283] : memref<819200x128xf32, #tpu.memory_space<hbm>> -> memref<200x128xf32, #tpu.memory_space<hbm>>
        %dma_wait3A_285 = arith.constant 0 : i32
        %dma_wait3A_286 = tpu.memref_slice %arg5[%add3A_282, %dma_wait3A_285] : memref<819200x128xf32, #tpu.memory_space<hbm>> -> memref<200x128xf32, #tpu.memory_space<hbm>>
        tpu.wait_dma2 semaphore(%arg25 : memref<!tpu.dma_semaphore, #tpu.memory_space<semaphore_mem>>) src(%arg13 : memref<200x128xf32, #tpu.memory_space<vmem>>) dst(%dma_wait3A_286 : memref<200x128xf32, #tpu.memory_space<hbm>>)
        %dma_start3A_287 = arith.constant 0 : i32
        %dma_start3A_288 = arith.constant 0 : i32
        %dma_start3A_289 = tpu.memref_slice %arg3[%dma_start3A_287, %dma_start3A_288] : memref<100000x128xf32, #tpu.memory_space<hbm>> -> memref<100000x128xf32, #tpu.memory_space<hbm>>
        tpu.enqueue_indirect_dma source(%dma_start3A_289 : memref<100000x128xf32, #tpu.memory_space<hbm>>) target(%arg13 : memref<200x128xf32, #tpu.memory_space<vmem>>) offsets(%arg8 : memref<200xi32, #tpu.memory_space<vmem>>) semaphore(%arg21 : memref<!tpu.dma_semaphore, #tpu.memory_space<semaphore_mem>>)
      } else {
      }
      %mul3A_236 = arith.constant 4 : i32
      %mul3A_237 = arith.muli %mul3A_236, %scan3A_130 : i32
      %add3A_238 = arith.constant 2 : i32
      %add3A_239 = arith.addi %add3A_238, %mul3A_237 : i32
      %add3A_240 = arith.constant 3 : i32
      %add3A_241 = arith.addi %add3A_239, %add3A_240 : i32
      %dma_wait3A_242 = arith.constant 0 : i32
      %dma_wait3A_243 = arith.constant 0 : i32
      %dma_wait3A_244 = tpu.memref_slice %arg3[%dma_wait3A_242, %dma_wait3A_243] : memref<100000x128xf32, #tpu.memory_space<hbm>> -> memref<100000x128xf32, #tpu.memory_space<hbm>>
      tpu.wait_indirect_dma semaphore(%arg20 : memref<!tpu.dma_semaphore, #tpu.memory_space<semaphore_mem>>) src(%dma_wait3A_244 : memref<100000x128xf32, #tpu.memory_space<hbm>>) dst(%arg12 : memref<200x128xf32, #tpu.memory_space<vmem>>)
      %scan3A_245 = arith.constant 0 : i32
      %scan3A_246 = arith.constant 0 : i32
      %scan3A_247 = arith.constant 200 : i32
      %scan3A_248 = arith.addi %scan3A_246, %scan3A_247 : i32
      %scan3A_249 = arith.constant 1 : i32
      scf.for %scan3A_272 = %scan3A_246 to %scan3A_248 step %scan3A_249  : i32 {
        %get3A = arith.index_cast %scan3A_272 : i32 to index
        %get3A_273 = arith.constant 0 : index
        %get3A_274 = tpu.vector_load %arg12[%get3A, %get3A_273] {strides = array<i32>} : memref<200x128xf32, #tpu.memory_space<vmem>>, vector<1x16xf32>,
        %get3A_275 = vector.shape_cast %get3A_274 : vector<1x16xf32> to vector<16xf32>
        %get3A_276 = arith.index_cast %scan3A_272 : i32 to index
        %get3A_277 = arith.constant 0 : index
        %get3A_278 = tpu.vector_load %arg10[%get3A_276, %get3A_277] {strides = array<i32>} : memref<200x128xf32, #tpu.memory_space<vmem>>, vector<1x16xf32>,
        %get3A_279 = vector.shape_cast %get3A_278 : vector<1x16xf32> to vector<16xf32>
        %add3A_280 = arith.addf %get3A_275, %get3A_279 : vector<16xf32>
        %swap3A = arith.index_cast %scan3A_272 : i32 to index
        %swap3A_281 = arith.constant 0 : index
        %swap3A_282 = tpu.vector_load %arg12[%swap3A, %swap3A_281] {strides = array<i32>} : memref<200x128xf32, #tpu.memory_space<vmem>>, vector<1x16xf32>,
        %swap3A_283 = vector.shape_cast %swap3A_282 : vector<1x16xf32> to vector<16xf32>
        %swap3A_284 = vector.shape_cast %add3A_280 : vector<16xf32> to vector<1x16xf32>
        tpu.vector_store %arg12[%swap3A, %swap3A_281], %swap3A_284 {strides = array<i32>} : memref<200x128xf32, #tpu.memory_space<vmem>>, vector<1x16xf32>,
        %get3A_285 = arith.index_cast %scan3A_272 : i32 to index
        %get3A_286 = arith.constant 16 : index
        %get3A_287 = tpu.vector_load %arg12[%get3A_285, %get3A_286] {strides = array<i32>} : memref<200x128xf32, #tpu.memory_space<vmem>>, vector<1x16xf32>,
        %get3A_288 = vector.shape_cast %get3A_287 : vector<1x16xf32> to vector<16xf32>
        %get3A_289 = arith.index_cast %scan3A_272 : i32 to index
        %get3A_290 = arith.constant 16 : index
        %get3A_291 = tpu.vector_load %arg10[%get3A_289, %get3A_290] {strides = array<i32>} : memref<200x128xf32, #tpu.memory_space<vmem>>, vector<1x16xf32>,
        %get3A_292 = vector.shape_cast %get3A_291 : vector<1x16xf32> to vector<16xf32>
        %add3A_293 = arith.addf %get3A_288, %get3A_292 : vector<16xf32>
        %swap3A_294 = arith.index_cast %scan3A_272 : i32 to index
        %swap3A_295 = arith.constant 16 : index
        %swap3A_296 = tpu.vector_load %arg12[%swap3A_294, %swap3A_295] {strides = array<i32>} : memref<200x128xf32, #tpu.memory_space<vmem>>, vector<1x16xf32>,
        %swap3A_297 = vector.shape_cast %swap3A_296 : vector<1x16xf32> to vector<16xf32>
        %swap3A_298 = vector.shape_cast %add3A_293 : vector<16xf32> to vector<1x16xf32>
        tpu.vector_store %arg12[%swap3A_294, %swap3A_295], %swap3A_298 {strides = array<i32>} : memref<200x128xf32, #tpu.memory_space<vmem>>, vector<1x16xf32>,
        %get3A_299 = arith.index_cast %scan3A_272 : i32 to index
        %get3A_300 = arith.constant 32 : index
        %get3A_301 = tpu.vector_load %arg12[%get3A_299, %get3A_300] {strides = array<i32>} : memref<200x128xf32, #tpu.memory_space<vmem>>, vector<1x16xf32>,
        %get3A_302 = vector.shape_cast %get3A_301 : vector<1x16xf32> to vector<16xf32>
        %get3A_303 = arith.index_cast %scan3A_272 : i32 to index
        %get3A_304 = arith.constant 32 : index
        %get3A_305 = tpu.vector_load %arg10[%get3A_303, %get3A_304] {strides = array<i32>} : memref<200x128xf32, #tpu.memory_space<vmem>>, vector<1x16xf32>,
        %get3A_306 = vector.shape_cast %get3A_305 : vector<1x16xf32> to vector<16xf32>
        %add3A_307 = arith.addf %get3A_302, %get3A_306 : vector<16xf32>
        %swap3A_308 = arith.index_cast %scan3A_272 : i32 to index
        %swap3A_309 = arith.constant 32 : index
        %swap3A_310 = tpu.vector_load %arg12[%swap3A_308, %swap3A_309] {strides = array<i32>} : memref<200x128xf32, #tpu.memory_space<vmem>>, vector<1x16xf32>,
        %swap3A_311 = vector.shape_cast %swap3A_310 : vector<1x16xf32> to vector<16xf32>
        %swap3A_312 = vector.shape_cast %add3A_307 : vector<16xf32> to vector<1x16xf32>
        tpu.vector_store %arg12[%swap3A_308, %swap3A_309], %swap3A_312 {strides = array<i32>} : memref<200x128xf32, #tpu.memory_space<vmem>>, vector<1x16xf32>,
        %get3A_313 = arith.index_cast %scan3A_272 : i32 to index
        %get3A_314 = arith.constant 48 : index
        %get3A_315 = tpu.vector_load %arg12[%get3A_313, %get3A_314] {strides = array<i32>} : memref<200x128xf32, #tpu.memory_space<vmem>>, vector<1x16xf32>,
        %get3A_316 = vector.shape_cast %get3A_315 : vector<1x16xf32> to vector<16xf32>
        %get3A_317 = arith.index_cast %scan3A_272 : i32 to index
        %get3A_318 = arith.constant 48 : index
        %get3A_319 = tpu.vector_load %arg10[%get3A_317, %get3A_318] {strides = array<i32>} : memref<200x128xf32, #tpu.memory_space<vmem>>, vector<1x16xf32>,
        %get3A_320 = vector.shape_cast %get3A_319 : vector<1x16xf32> to vector<16xf32>
        %add3A_321 = arith.addf %get3A_316, %get3A_320 : vector<16xf32>
        %swap3A_322 = arith.index_cast %scan3A_272 : i32 to index
        %swap3A_323 = arith.constant 48 : index
        %swap3A_324 = tpu.vector_load %arg12[%swap3A_322, %swap3A_323] {strides = array<i32>} : memref<200x128xf32, #tpu.memory_space<vmem>>, vector<1x16xf32>,
        %swap3A_325 = vector.shape_cast %swap3A_324 : vector<1x16xf32> to vector<16xf32>
        %swap3A_326 = vector.shape_cast %add3A_321 : vector<16xf32> to vector<1x16xf32>
        tpu.vector_store %arg12[%swap3A_322, %swap3A_323], %swap3A_326 {strides = array<i32>} : memref<200x128xf32, #tpu.memory_space<vmem>>, vector<1x16xf32>,
        %get3A_327 = arith.index_cast %scan3A_272 : i32 to index
        %get3A_328 = arith.constant 64 : index
        %get3A_329 = tpu.vector_load %arg12[%get3A_327, %get3A_328] {strides = array<i32>} : memref<200x128xf32, #tpu.memory_space<vmem>>, vector<1x16xf32>,
        %get3A_330 = vector.shape_cast %get3A_329 : vector<1x16xf32> to vector<16xf32>
        %get3A_331 = arith.index_cast %scan3A_272 : i32 to index
        %get3A_332 = arith.constant 64 : index
        %get3A_333 = tpu.vector_load %arg10[%get3A_331, %get3A_332] {strides = array<i32>} : memref<200x128xf32, #tpu.memory_space<vmem>>, vector<1x16xf32>,
        %get3A_334 = vector.shape_cast %get3A_333 : vector<1x16xf32> to vector<16xf32>
        %add3A_335 = arith.addf %get3A_330, %get3A_334 : vector<16xf32>
        %swap3A_336 = arith.index_cast %scan3A_272 : i32 to index
        %swap3A_337 = arith.constant 64 : index
        %swap3A_338 = tpu.vector_load %arg12[%swap3A_336, %swap3A_337] {strides = array<i32>} : memref<200x128xf32, #tpu.memory_space<vmem>>, vector<1x16xf32>,
        %swap3A_339 = vector.shape_cast %swap3A_338 : vector<1x16xf32> to vector<16xf32>
        %swap3A_340 = vector.shape_cast %add3A_335 : vector<16xf32> to vector<1x16xf32>
        tpu.vector_store %arg12[%swap3A_336, %swap3A_337], %swap3A_340 {strides = array<i32>} : memref<200x128xf32, #tpu.memory_space<vmem>>, vector<1x16xf32>,
        %get3A_341 = arith.index_cast %scan3A_272 : i32 to index
        %get3A_342 = arith.constant 80 : index
        %get3A_343 = tpu.vector_load %arg12[%get3A_341, %get3A_342] {strides = array<i32>} : memref<200x128xf32, #tpu.memory_space<vmem>>, vector<1x16xf32>,
        %get3A_344 = vector.shape_cast %get3A_343 : vector<1x16xf32> to vector<16xf32>
        %get3A_345 = arith.index_cast %scan3A_272 : i32 to index
        %get3A_346 = arith.constant 80 : index
        %get3A_347 = tpu.vector_load %arg10[%get3A_345, %get3A_346] {strides = array<i32>} : memref<200x128xf32, #tpu.memory_space<vmem>>, vector<1x16xf32>,
        %get3A_348 = vector.shape_cast %get3A_347 : vector<1x16xf32> to vector<16xf32>
        %add3A_349 = arith.addf %get3A_344, %get3A_348 : vector<16xf32>
        %swap3A_350 = arith.index_cast %scan3A_272 : i32 to index
        %swap3A_351 = arith.constant 80 : index
        %swap3A_352 = tpu.vector_load %arg12[%swap3A_350, %swap3A_351] {strides = array<i32>} : memref<200x128xf32, #tpu.memory_space<vmem>>, vector<1x16xf32>,
        %swap3A_353 = vector.shape_cast %swap3A_352 : vector<1x16xf32> to vector<16xf32>
        %swap3A_354 = vector.shape_cast %add3A_349 : vector<16xf32> to vector<1x16xf32>
        tpu.vector_store %arg12[%swap3A_350, %swap3A_351], %swap3A_354 {strides = array<i32>} : memref<200x128xf32, #tpu.memory_space<vmem>>, vector<1x16xf32>,
        %get3A_355 = arith.index_cast %scan3A_272 : i32 to index
        %get3A_356 = arith.constant 96 : index
        %get3A_357 = tpu.vector_load %arg12[%get3A_355, %get3A_356] {strides = array<i32>} : memref<200x128xf32, #tpu.memory_space<vmem>>, vector<1x16xf32>,
        %get3A_358 = vector.shape_cast %get3A_357 : vector<1x16xf32> to vector<16xf32>
        %get3A_359 = arith.index_cast %scan3A_272 : i32 to index
        %get3A_360 = arith.constant 96 : index
        %get3A_361 = tpu.vector_load %arg10[%get3A_359, %get3A_360] {strides = array<i32>} : memref<200x128xf32, #tpu.memory_space<vmem>>, vector<1x16xf32>,
        %get3A_362 = vector.shape_cast %get3A_361 : vector<1x16xf32> to vector<16xf32>
        %add3A_363 = arith.addf %get3A_358, %get3A_362 : vector<16xf32>
        %swap3A_364 = arith.index_cast %scan3A_272 : i32 to index
        %swap3A_365 = arith.constant 96 : index
        %swap3A_366 = tpu.vector_load %arg12[%swap3A_364, %swap3A_365] {strides = array<i32>} : memref<200x128xf32, #tpu.memory_space<vmem>>, vector<1x16xf32>,
        %swap3A_367 = vector.shape_cast %swap3A_366 : vector<1x16xf32> to vector<16xf32>
        %swap3A_368 = vector.shape_cast %add3A_363 : vector<16xf32> to vector<1x16xf32>
        tpu.vector_store %arg12[%swap3A_364, %swap3A_365], %swap3A_368 {strides = array<i32>} : memref<200x128xf32, #tpu.memory_space<vmem>>, vector<1x16xf32>,
        %get3A_369 = arith.index_cast %scan3A_272 : i32 to index
        %get3A_370 = arith.constant 112 : index
        %get3A_371 = tpu.vector_load %arg12[%get3A_369, %get3A_370] {strides = array<i32>} : memref<200x128xf32, #tpu.memory_space<vmem>>, vector<1x16xf32>,
        %get3A_372 = vector.shape_cast %get3A_371 : vector<1x16xf32> to vector<16xf32>
        %get3A_373 = arith.index_cast %scan3A_272 : i32 to index
        %get3A_374 = arith.constant 112 : index
        %get3A_375 = tpu.vector_load %arg10[%get3A_373, %get3A_374] {strides = array<i32>} : memref<200x128xf32, #tpu.memory_space<vmem>>, vector<1x16xf32>,
        %get3A_376 = vector.shape_cast %get3A_375 : vector<1x16xf32> to vector<16xf32>
        %add3A_377 = arith.addf %get3A_372, %get3A_376 : vector<16xf32>
        %swap3A_378 = arith.index_cast %scan3A_272 : i32 to index
        %swap3A_379 = arith.constant 112 : index
        %swap3A_380 = tpu.vector_load %arg12[%swap3A_378, %swap3A_379] {strides = array<i32>} : memref<200x128xf32, #tpu.memory_space<vmem>>, vector<1x16xf32>,
        %swap3A_381 = vector.shape_cast %swap3A_380 : vector<1x16xf32> to vector<16xf32>
        %swap3A_382 = vector.shape_cast %add3A_377 : vector<16xf32> to vector<1x16xf32>
        tpu.vector_store %arg12[%swap3A_378, %swap3A_379], %swap3A_382 {strides = array<i32>} : memref<200x128xf32, #tpu.memory_space<vmem>>, vector<1x16xf32>,
      }
      %scan3A_250 = arith.constant 200 : i32
      %mul3A_251 = arith.constant 200 : i32
      %mul3A_252 = arith.muli %add3A_241, %mul3A_251 : i32
      %add3A_253 = arith.addi %mul3A_2, %mul3A_252 : i32
      %dma_start3A_254 = arith.constant 0 : i32
      %dma_start3A_255 = tpu.memref_slice %arg5[%add3A_253, %dma_start3A_254] : memref<819200x128xf32, #tpu.memory_space<hbm>> -> memref<200x128xf32, #tpu.memory_space<hbm>>
      %dma_start3A_256 = arith.constant 0 : i32
      %dma_start3A_257 = tpu.memref_slice %arg5[%add3A_253, %dma_start3A_256] : memref<819200x128xf32, #tpu.memory_space<hbm>> -> memref<200x128xf32, #tpu.memory_space<hbm>>
      tpu.enqueue_dma source(%arg12 : memref<200x128xf32, #tpu.memory_space<vmem>>) target(%dma_start3A_257 : memref<200x128xf32, #tpu.memory_space<hbm>>) target_semaphore(%arg24 : memref<!tpu.dma_semaphore, #tpu.memory_space<semaphore_mem>>)
      %add3A_258 = arith.constant 4 : i32
      %add3A_259 = arith.addi %add3A_241, %add3A_258 : i32
      %lt3A_260 = arith.constant 128 : i32
      %lt3A_261 = arith.cmpi slt, %add3A_259, %lt3A_260 : i32
      %convert_element_type3A_262 = arith.extui %lt3A_261 : i1 to i32
      %cond3A_263 = arith.constant 0 : i32
      %cond3A_264 = arith.cmpi ne, %convert_element_type3A_262, %cond3A_263 : i32
      scf.if %cond3A_264 {
        %add3A_272 = arith.constant 4 : i32
        %add3A_273 = arith.addi %add3A_241, %add3A_272 : i32
        %mul3A_274 = arith.constant 200 : i32
        %mul3A_275 = arith.muli %add3A_273, %mul3A_274 : i32
        %add3A_276 = arith.addi %mul3A_2, %mul3A_275 : i32
        %dma_start3A_277 = tpu.memref_slice %arg2[%add3A_276] : memref<819200xi32, #tpu.memory_space<hbm>> -> memref<200xi32, #tpu.memory_space<hbm>>
        %dma_start3A_278 = tpu.memref_slice %arg2[%add3A_276] : memref<819200xi32, #tpu.memory_space<hbm>> -> memref<200xi32, #tpu.memory_space<hbm>>
        tpu.enqueue_dma source(%dma_start3A_278 : memref<200xi32, #tpu.memory_space<hbm>>) target(%arg7 : memref<200xi32, #tpu.memory_space<vmem>>) target_semaphore(%arg16 : memref<!tpu.dma_semaphore, #tpu.memory_space<semaphore_mem>>)
      } else {
      }
      %add3A_265 = arith.constant 2 : i32
      %add3A_266 = arith.addi %add3A_241, %add3A_265 : i32
      %lt3A_267 = arith.constant 128 : i32
      %lt3A_268 = arith.cmpi slt, %add3A_266, %lt3A_267 : i32
      %convert_element_type3A_269 = arith.extui %lt3A_268 : i1 to i32
      %cond3A_270 = arith.constant 0 : i32
      %cond3A_271 = arith.cmpi ne, %convert_element_type3A_269, %cond3A_270 : i32
      scf.if %cond3A_271 {
        %add3A_272 = arith.constant 2 : i32
        %add3A_273 = arith.addi %add3A_241, %add3A_272 : i32
        %mul3A_274 = arith.constant 200 : i32
        %mul3A_275 = arith.muli %add3A_273, %mul3A_274 : i32
        %add3A_276 = arith.addi %mul3A_2, %mul3A_275 : i32
        %dma_wait3A_277 = tpu.memref_slice %arg2[%add3A_276] : memref<819200xi32, #tpu.memory_space<hbm>> -> memref<200xi32, #tpu.memory_space<hbm>>
        %dma_wait3A_278 = tpu.memref_slice %arg2[%add3A_276] : memref<819200xi32, #tpu.memory_space<hbm>> -> memref<200xi32, #tpu.memory_space<hbm>>
        tpu.wait_dma2 semaphore(%arg18 : memref<!tpu.dma_semaphore, #tpu.memory_space<semaphore_mem>>) src(%dma_wait3A_278 : memref<200xi32, #tpu.memory_space<hbm>>) dst(%arg9 : memref<200xi32, #tpu.memory_space<vmem>>)
        %sub3A = arith.constant 2 : i32
        %sub3A_279 = arith.subi %add3A_241, %sub3A : i32
        %mul3A_280 = arith.constant 200 : i32
        %mul3A_281 = arith.muli %sub3A_279, %mul3A_280 : i32
        %add3A_282 = arith.addi %mul3A_2, %mul3A_281 : i32
        %dma_wait3A_283 = arith.constant 0 : i32
        %dma_wait3A_284 = tpu.memref_slice %arg5[%add3A_282, %dma_wait3A_283] : memref<819200x128xf32, #tpu.memory_space<hbm>> -> memref<200x128xf32, #tpu.memory_space<hbm>>
        %dma_wait3A_285 = arith.constant 0 : i32
        %dma_wait3A_286 = tpu.memref_slice %arg5[%add3A_282, %dma_wait3A_285] : memref<819200x128xf32, #tpu.memory_space<hbm>> -> memref<200x128xf32, #tpu.memory_space<hbm>>
        tpu.wait_dma2 semaphore(%arg26 : memref<!tpu.dma_semaphore, #tpu.memory_space<semaphore_mem>>) src(%arg14 : memref<200x128xf32, #tpu.memory_space<vmem>>) dst(%dma_wait3A_286 : memref<200x128xf32, #tpu.memory_space<hbm>>)
        %dma_start3A_287 = arith.constant 0 : i32
        %dma_start3A_288 = arith.constant 0 : i32
        %dma_start3A_289 = tpu.memref_slice %arg3[%dma_start3A_287, %dma_start3A_288] : memref<100000x128xf32, #tpu.memory_space<hbm>> -> memref<100000x128xf32, #tpu.memory_space<hbm>>
        tpu.enqueue_indirect_dma source(%dma_start3A_289 : memref<100000x128xf32, #tpu.memory_space<hbm>>) target(%arg14 : memref<200x128xf32, #tpu.memory_space<vmem>>) offsets(%arg9 : memref<200xi32, #tpu.memory_space<vmem>>) semaphore(%arg22 : memref<!tpu.dma_semaphore, #tpu.memory_space<semaphore_mem>>)
      } else {
      }
    }
    %scan3A_75 = arith.constant 31 : i32
    %dma_wait3A_76 = arith.constant 0 : i32
    %dma_wait3A_77 = arith.constant 0 : i32
    %dma_wait3A_78 = tpu.memref_slice %arg3[%dma_wait3A_76, %dma_wait3A_77] : memref<100000x128xf32, #tpu.memory_space<hbm>> -> memref<100000x128xf32, #tpu.memory_space<hbm>>
    tpu.wait_indirect_dma semaphore(%arg21 : memref<!tpu.dma_semaphore, #tpu.memory_space<semaphore_mem>>) src(%dma_wait3A_78 : memref<100000x128xf32, #tpu.memory_space<hbm>>) dst(%arg13 : memref<200x128xf32, #tpu.memory_space<vmem>>)
    %scan3A_79 = arith.constant 0 : i32
    %scan3A_80 = arith.constant 0 : i32
    %scan3A_81 = arith.constant 200 : i32
    %scan3A_82 = arith.addi %scan3A_80, %scan3A_81 : i32
    %scan3A_83 = arith.constant 1 : i32
    scf.for %scan3A_130 = %scan3A_80 to %scan3A_82 step %scan3A_83  : i32 {
      %get3A = arith.index_cast %scan3A_130 : i32 to index
      %get3A_131 = arith.constant 0 : index
      %get3A_132 = tpu.vector_load %arg13[%get3A, %get3A_131] {strides = array<i32>} : memref<200x128xf32, #tpu.memory_space<vmem>>, vector<1x16xf32>,
      %get3A_133 = vector.shape_cast %get3A_132 : vector<1x16xf32> to vector<16xf32>
      %get3A_134 = arith.index_cast %scan3A_130 : i32 to index
      %get3A_135 = arith.constant 0 : index
      %get3A_136 = tpu.vector_load %arg10[%get3A_134, %get3A_135] {strides = array<i32>} : memref<200x128xf32, #tpu.memory_space<vmem>>, vector<1x16xf32>,
      %get3A_137 = vector.shape_cast %get3A_136 : vector<1x16xf32> to vector<16xf32>
      %add3A_138 = arith.addf %get3A_133, %get3A_137 : vector<16xf32>
      %swap3A = arith.index_cast %scan3A_130 : i32 to index
      %swap3A_139 = arith.constant 0 : index
      %swap3A_140 = tpu.vector_load %arg13[%swap3A, %swap3A_139] {strides = array<i32>} : memref<200x128xf32, #tpu.memory_space<vmem>>, vector<1x16xf32>,
      %swap3A_141 = vector.shape_cast %swap3A_140 : vector<1x16xf32> to vector<16xf32>
      %swap3A_142 = vector.shape_cast %add3A_138 : vector<16xf32> to vector<1x16xf32>
      tpu.vector_store %arg13[%swap3A, %swap3A_139], %swap3A_142 {strides = array<i32>} : memref<200x128xf32, #tpu.memory_space<vmem>>, vector<1x16xf32>,
      %get3A_143 = arith.index_cast %scan3A_130 : i32 to index
      %get3A_144 = arith.constant 16 : index
      %get3A_145 = tpu.vector_load %arg13[%get3A_143, %get3A_144] {strides = array<i32>} : memref<200x128xf32, #tpu.memory_space<vmem>>, vector<1x16xf32>,
      %get3A_146 = vector.shape_cast %get3A_145 : vector<1x16xf32> to vector<16xf32>
      %get3A_147 = arith.index_cast %scan3A_130 : i32 to index
      %get3A_148 = arith.constant 16 : index
      %get3A_149 = tpu.vector_load %arg10[%get3A_147, %get3A_148] {strides = array<i32>} : memref<200x128xf32, #tpu.memory_space<vmem>>, vector<1x16xf32>,
      %get3A_150 = vector.shape_cast %get3A_149 : vector<1x16xf32> to vector<16xf32>
      %add3A_151 = arith.addf %get3A_146, %get3A_150 : vector<16xf32>
      %swap3A_152 = arith.index_cast %scan3A_130 : i32 to index
      %swap3A_153 = arith.constant 16 : index
      %swap3A_154 = tpu.vector_load %arg13[%swap3A_152, %swap3A_153] {strides = array<i32>} : memref<200x128xf32, #tpu.memory_space<vmem>>, vector<1x16xf32>,
      %swap3A_155 = vector.shape_cast %swap3A_154 : vector<1x16xf32> to vector<16xf32>
      %swap3A_156 = vector.shape_cast %add3A_151 : vector<16xf32> to vector<1x16xf32>
      tpu.vector_store %arg13[%swap3A_152, %swap3A_153], %swap3A_156 {strides = array<i32>} : memref<200x128xf32, #tpu.memory_space<vmem>>, vector<1x16xf32>,
      %get3A_157 = arith.index_cast %scan3A_130 : i32 to index
      %get3A_158 = arith.constant 32 : index
      %get3A_159 = tpu.vector_load %arg13[%get3A_157, %get3A_158] {strides = array<i32>} : memref<200x128xf32, #tpu.memory_space<vmem>>, vector<1x16xf32>,
      %get3A_160 = vector.shape_cast %get3A_159 : vector<1x16xf32> to vector<16xf32>
      %get3A_161 = arith.index_cast %scan3A_130 : i32 to index
      %get3A_162 = arith.constant 32 : index
      %get3A_163 = tpu.vector_load %arg10[%get3A_161, %get3A_162] {strides = array<i32>} : memref<200x128xf32, #tpu.memory_space<vmem>>, vector<1x16xf32>,
      %get3A_164 = vector.shape_cast %get3A_163 : vector<1x16xf32> to vector<16xf32>
      %add3A_165 = arith.addf %get3A_160, %get3A_164 : vector<16xf32>
      %swap3A_166 = arith.index_cast %scan3A_130 : i32 to index
      %swap3A_167 = arith.constant 32 : index
      %swap3A_168 = tpu.vector_load %arg13[%swap3A_166, %swap3A_167] {strides = array<i32>} : memref<200x128xf32, #tpu.memory_space<vmem>>, vector<1x16xf32>,
      %swap3A_169 = vector.shape_cast %swap3A_168 : vector<1x16xf32> to vector<16xf32>
      %swap3A_170 = vector.shape_cast %add3A_165 : vector<16xf32> to vector<1x16xf32>
      tpu.vector_store %arg13[%swap3A_166, %swap3A_167], %swap3A_170 {strides = array<i32>} : memref<200x128xf32, #tpu.memory_space<vmem>>, vector<1x16xf32>,
      %get3A_171 = arith.index_cast %scan3A_130 : i32 to index
      %get3A_172 = arith.constant 48 : index
      %get3A_173 = tpu.vector_load %arg13[%get3A_171, %get3A_172] {strides = array<i32>} : memref<200x128xf32, #tpu.memory_space<vmem>>, vector<1x16xf32>,
      %get3A_174 = vector.shape_cast %get3A_173 : vector<1x16xf32> to vector<16xf32>
      %get3A_175 = arith.index_cast %scan3A_130 : i32 to index
      %get3A_176 = arith.constant 48 : index
      %get3A_177 = tpu.vector_load %arg10[%get3A_175, %get3A_176] {strides = array<i32>} : memref<200x128xf32, #tpu.memory_space<vmem>>, vector<1x16xf32>,
      %get3A_178 = vector.shape_cast %get3A_177 : vector<1x16xf32> to vector<16xf32>
      %add3A_179 = arith.addf %get3A_174, %get3A_178 : vector<16xf32>
      %swap3A_180 = arith.index_cast %scan3A_130 : i32 to index
      %swap3A_181 = arith.constant 48 : index
      %swap3A_182 = tpu.vector_load %arg13[%swap3A_180, %swap3A_181] {strides = array<i32>} : memref<200x128xf32, #tpu.memory_space<vmem>>, vector<1x16xf32>,
      %swap3A_183 = vector.shape_cast %swap3A_182 : vector<1x16xf32> to vector<16xf32>
      %swap3A_184 = vector.shape_cast %add3A_179 : vector<16xf32> to vector<1x16xf32>
      tpu.vector_store %arg13[%swap3A_180, %swap3A_181], %swap3A_184 {strides = array<i32>} : memref<200x128xf32, #tpu.memory_space<vmem>>, vector<1x16xf32>,
      %get3A_185 = arith.index_cast %scan3A_130 : i32 to index
      %get3A_186 = arith.constant 64 : index
      %get3A_187 = tpu.vector_load %arg13[%get3A_185, %get3A_186] {strides = array<i32>} : memref<200x128xf32, #tpu.memory_space<vmem>>, vector<1x16xf32>,
      %get3A_188 = vector.shape_cast %get3A_187 : vector<1x16xf32> to vector<16xf32>
      %get3A_189 = arith.index_cast %scan3A_130 : i32 to index
      %get3A_190 = arith.constant 64 : index
      %get3A_191 = tpu.vector_load %arg10[%get3A_189, %get3A_190] {strides = array<i32>} : memref<200x128xf32, #tpu.memory_space<vmem>>, vector<1x16xf32>,
      %get3A_192 = vector.shape_cast %get3A_191 : vector<1x16xf32> to vector<16xf32>
      %add3A_193 = arith.addf %get3A_188, %get3A_192 : vector<16xf32>
      %swap3A_194 = arith.index_cast %scan3A_130 : i32 to index
      %swap3A_195 = arith.constant 64 : index
      %swap3A_196 = tpu.vector_load %arg13[%swap3A_194, %swap3A_195] {strides = array<i32>} : memref<200x128xf32, #tpu.memory_space<vmem>>, vector<1x16xf32>,
      %swap3A_197 = vector.shape_cast %swap3A_196 : vector<1x16xf32> to vector<16xf32>
      %swap3A_198 = vector.shape_cast %add3A_193 : vector<16xf32> to vector<1x16xf32>
      tpu.vector_store %arg13[%swap3A_194, %swap3A_195], %swap3A_198 {strides = array<i32>} : memref<200x128xf32, #tpu.memory_space<vmem>>, vector<1x16xf32>,
      %get3A_199 = arith.index_cast %scan3A_130 : i32 to index
      %get3A_200 = arith.constant 80 : index
      %get3A_201 = tpu.vector_load %arg13[%get3A_199, %get3A_200] {strides = array<i32>} : memref<200x128xf32, #tpu.memory_space<vmem>>, vector<1x16xf32>,
      %get3A_202 = vector.shape_cast %get3A_201 : vector<1x16xf32> to vector<16xf32>
      %get3A_203 = arith.index_cast %scan3A_130 : i32 to index
      %get3A_204 = arith.constant 80 : index
      %get3A_205 = tpu.vector_load %arg10[%get3A_203, %get3A_204] {strides = array<i32>} : memref<200x128xf32, #tpu.memory_space<vmem>>, vector<1x16xf32>,
      %get3A_206 = vector.shape_cast %get3A_205 : vector<1x16xf32> to vector<16xf32>
      %add3A_207 = arith.addf %get3A_202, %get3A_206 : vector<16xf32>
      %swap3A_208 = arith.index_cast %scan3A_130 : i32 to index
      %swap3A_209 = arith.constant 80 : index
      %swap3A_210 = tpu.vector_load %arg13[%swap3A_208, %swap3A_209] {strides = array<i32>} : memref<200x128xf32, #tpu.memory_space<vmem>>, vector<1x16xf32>,
      %swap3A_211 = vector.shape_cast %swap3A_210 : vector<1x16xf32> to vector<16xf32>
      %swap3A_212 = vector.shape_cast %add3A_207 : vector<16xf32> to vector<1x16xf32>
      tpu.vector_store %arg13[%swap3A_208, %swap3A_209], %swap3A_212 {strides = array<i32>} : memref<200x128xf32, #tpu.memory_space<vmem>>, vector<1x16xf32>,
      %get3A_213 = arith.index_cast %scan3A_130 : i32 to index
      %get3A_214 = arith.constant 96 : index
      %get3A_215 = tpu.vector_load %arg13[%get3A_213, %get3A_214] {strides = array<i32>} : memref<200x128xf32, #tpu.memory_space<vmem>>, vector<1x16xf32>,
      %get3A_216 = vector.shape_cast %get3A_215 : vector<1x16xf32> to vector<16xf32>
      %get3A_217 = arith.index_cast %scan3A_130 : i32 to index
      %get3A_218 = arith.constant 96 : index
      %get3A_219 = tpu.vector_load %arg10[%get3A_217, %get3A_218] {strides = array<i32>} : memref<200x128xf32, #tpu.memory_space<vmem>>, vector<1x16xf32>,
      %get3A_220 = vector.shape_cast %get3A_219 : vector<1x16xf32> to vector<16xf32>
      %add3A_221 = arith.addf %get3A_216, %get3A_220 : vector<16xf32>
      %swap3A_222 = arith.index_cast %scan3A_130 : i32 to index
      %swap3A_223 = arith.constant 96 : index
      %swap3A_224 = tpu.vector_load %arg13[%swap3A_222, %swap3A_223] {strides = array<i32>} : memref<200x128xf32, #tpu.memory_space<vmem>>, vector<1x16xf32>,
      %swap3A_225 = vector.shape_cast %swap3A_224 : vector<1x16xf32> to vector<16xf32>
      %swap3A_226 = vector.shape_cast %add3A_221 : vector<16xf32> to vector<1x16xf32>
      tpu.vector_store %arg13[%swap3A_222, %swap3A_223], %swap3A_226 {strides = array<i32>} : memref<200x128xf32, #tpu.memory_space<vmem>>, vector<1x16xf32>,
      %get3A_227 = arith.index_cast %scan3A_130 : i32 to index
      %get3A_228 = arith.constant 112 : index
      %get3A_229 = tpu.vector_load %arg13[%get3A_227, %get3A_228] {strides = array<i32>} : memref<200x128xf32, #tpu.memory_space<vmem>>, vector<1x16xf32>,
      %get3A_230 = vector.shape_cast %get3A_229 : vector<1x16xf32> to vector<16xf32>
      %get3A_231 = arith.index_cast %scan3A_130 : i32 to index
      %get3A_232 = arith.constant 112 : index
      %get3A_233 = tpu.vector_load %arg10[%get3A_231, %get3A_232] {strides = array<i32>} : memref<200x128xf32, #tpu.memory_space<vmem>>, vector<1x16xf32>,
      %get3A_234 = vector.shape_cast %get3A_233 : vector<1x16xf32> to vector<16xf32>
      %add3A_235 = arith.addf %get3A_230, %get3A_234 : vector<16xf32>
      %swap3A_236 = arith.index_cast %scan3A_130 : i32 to index
      %swap3A_237 = arith.constant 112 : index
      %swap3A_238 = tpu.vector_load %arg13[%swap3A_236, %swap3A_237] {strides = array<i32>} : memref<200x128xf32, #tpu.memory_space<vmem>>, vector<1x16xf32>,
      %swap3A_239 = vector.shape_cast %swap3A_238 : vector<1x16xf32> to vector<16xf32>
      %swap3A_240 = vector.shape_cast %add3A_235 : vector<16xf32> to vector<1x16xf32>
      tpu.vector_store %arg13[%swap3A_236, %swap3A_237], %swap3A_240 {strides = array<i32>} : memref<200x128xf32, #tpu.memory_space<vmem>>, vector<1x16xf32>,
    }
    %scan3A_84 = arith.constant 200 : i32
    %add3A_85 = arith.constant 25200 : i32
    %add3A_86 = arith.addi %mul3A_2, %add3A_85 : i32
    %dma_start3A_87 = arith.constant 0 : i32
    %dma_start3A_88 = tpu.memref_slice %arg5[%add3A_86, %dma_start3A_87] : memref<819200x128xf32, #tpu.memory_space<hbm>> -> memref<200x128xf32, #tpu.memory_space<hbm>>
    %dma_start3A_89 = arith.constant 0 : i32
    %dma_start3A_90 = tpu.memref_slice %arg5[%add3A_86, %dma_start3A_89] : memref<819200x128xf32, #tpu.memory_space<hbm>> -> memref<200x128xf32, #tpu.memory_space<hbm>>
    tpu.enqueue_dma source(%arg13 : memref<200x128xf32, #tpu.memory_space<vmem>>) target(%dma_start3A_90 : memref<200x128xf32, #tpu.memory_space<hbm>>) target_semaphore(%arg25 : memref<!tpu.dma_semaphore, #tpu.memory_space<semaphore_mem>>)
    %dma_wait3A_91 = arith.constant 0 : i32
    %dma_wait3A_92 = arith.constant 0 : i32
    %dma_wait3A_93 = tpu.memref_slice %arg3[%dma_wait3A_91, %dma_wait3A_92] : memref<100000x128xf32, #tpu.memory_space<hbm>> -> memref<100000x128xf32, #tpu.memory_space<hbm>>
    tpu.wait_indirect_dma semaphore(%arg22 : memref<!tpu.dma_semaphore, #tpu.memory_space<semaphore_mem>>) src(%dma_wait3A_93 : memref<100000x128xf32, #tpu.memory_space<hbm>>) dst(%arg14 : memref<200x128xf32, #tpu.memory_space<vmem>>)
    %scan3A_94 = arith.constant 0 : i32
    %scan3A_95 = arith.constant 0 : i32
    %scan3A_96 = arith.constant 200 : i32
    %scan3A_97 = arith.addi %scan3A_95, %scan3A_96 : i32
    %scan3A_98 = arith.constant 1 : i32
    scf.for %scan3A_130 = %scan3A_95 to %scan3A_97 step %scan3A_98  : i32 {
      %get3A = arith.index_cast %scan3A_130 : i32 to index
      %get3A_131 = arith.constant 0 : index
      %get3A_132 = tpu.vector_load %arg14[%get3A, %get3A_131] {strides = array<i32>} : memref<200x128xf32, #tpu.memory_space<vmem>>, vector<1x16xf32>,
      %get3A_133 = vector.shape_cast %get3A_132 : vector<1x16xf32> to vector<16xf32>
      %get3A_134 = arith.index_cast %scan3A_130 : i32 to index
      %get3A_135 = arith.constant 0 : index
      %get3A_136 = tpu.vector_load %arg10[%get3A_134, %get3A_135] {strides = array<i32>} : memref<200x128xf32, #tpu.memory_space<vmem>>, vector<1x16xf32>,
      %get3A_137 = vector.shape_cast %get3A_136 : vector<1x16xf32> to vector<16xf32>
      %add3A_138 = arith.addf %get3A_133, %get3A_137 : vector<16xf32>
      %swap3A = arith.index_cast %scan3A_130 : i32 to index
      %swap3A_139 = arith.constant 0 : index
      %swap3A_140 = tpu.vector_load %arg14[%swap3A, %swap3A_139] {strides = array<i32>} : memref<200x128xf32, #tpu.memory_space<vmem>>, vector<1x16xf32>,
      %swap3A_141 = vector.shape_cast %swap3A_140 : vector<1x16xf32> to vector<16xf32>
      %swap3A_142 = vector.shape_cast %add3A_138 : vector<16xf32> to vector<1x16xf32>
      tpu.vector_store %arg14[%swap3A, %swap3A_139], %swap3A_142 {strides = array<i32>} : memref<200x128xf32, #tpu.memory_space<vmem>>, vector<1x16xf32>,
      %get3A_143 = arith.index_cast %scan3A_130 : i32 to index
      %get3A_144 = arith.constant 16 : index
      %get3A_145 = tpu.vector_load %arg14[%get3A_143, %get3A_144] {strides = array<i32>} : memref<200x128xf32, #tpu.memory_space<vmem>>, vector<1x16xf32>,
      %get3A_146 = vector.shape_cast %get3A_145 : vector<1x16xf32> to vector<16xf32>
      %get3A_147 = arith.index_cast %scan3A_130 : i32 to index
      %get3A_148 = arith.constant 16 : index
      %get3A_149 = tpu.vector_load %arg10[%get3A_147, %get3A_148] {strides = array<i32>} : memref<200x128xf32, #tpu.memory_space<vmem>>, vector<1x16xf32>,
      %get3A_150 = vector.shape_cast %get3A_149 : vector<1x16xf32> to vector<16xf32>
      %add3A_151 = arith.addf %get3A_146, %get3A_150 : vector<16xf32>
      %swap3A_152 = arith.index_cast %scan3A_130 : i32 to index
      %swap3A_153 = arith.constant 16 : index
      %swap3A_154 = tpu.vector_load %arg14[%swap3A_152, %swap3A_153] {strides = array<i32>} : memref<200x128xf32, #tpu.memory_space<vmem>>, vector<1x16xf32>,
      %swap3A_155 = vector.shape_cast %swap3A_154 : vector<1x16xf32> to vector<16xf32>
      %swap3A_156 = vector.shape_cast %add3A_151 : vector<16xf32> to vector<1x16xf32>
      tpu.vector_store %arg14[%swap3A_152, %swap3A_153], %swap3A_156 {strides = array<i32>} : memref<200x128xf32, #tpu.memory_space<vmem>>, vector<1x16xf32>,
      %get3A_157 = arith.index_cast %scan3A_130 : i32 to index
      %get3A_158 = arith.constant 32 : index
      %get3A_159 = tpu.vector_load %arg14[%get3A_157, %get3A_158] {strides = array<i32>} : memref<200x128xf32, #tpu.memory_space<vmem>>, vector<1x16xf32>,
      %get3A_160 = vector.shape_cast %get3A_159 : vector<1x16xf32> to vector<16xf32>
      %get3A_161 = arith.index_cast %scan3A_130 : i32 to index
      %get3A_162 = arith.constant 32 : index
      %get3A_163 = tpu.vector_load %arg10[%get3A_161, %get3A_162] {strides = array<i32>} : memref<200x128xf32, #tpu.memory_space<vmem>>, vector<1x16xf32>,
      %get3A_164 = vector.shape_cast %get3A_163 : vector<1x16xf32> to vector<16xf32>
      %add3A_165 = arith.addf %get3A_160, %get3A_164 : vector<16xf32>
      %swap3A_166 = arith.index_cast %scan3A_130 : i32 to index
      %swap3A_167 = arith.constant 32 : index
      %swap3A_168 = tpu.vector_load %arg14[%swap3A_166, %swap3A_167] {strides = array<i32>} : memref<200x128xf32, #tpu.memory_space<vmem>>, vector<1x16xf32>,
      %swap3A_169 = vector.shape_cast %swap3A_168 : vector<1x16xf32> to vector<16xf32>
      %swap3A_170 = vector.shape_cast %add3A_165 : vector<16xf32> to vector<1x16xf32>
      tpu.vector_store %arg14[%swap3A_166, %swap3A_167], %swap3A_170 {strides = array<i32>} : memref<200x128xf32, #tpu.memory_space<vmem>>, vector<1x16xf32>,
      %get3A_171 = arith.index_cast %scan3A_130 : i32 to index
      %get3A_172 = arith.constant 48 : index
      %get3A_173 = tpu.vector_load %arg14[%get3A_171, %get3A_172] {strides = array<i32>} : memref<200x128xf32, #tpu.memory_space<vmem>>, vector<1x16xf32>,
      %get3A_174 = vector.shape_cast %get3A_173 : vector<1x16xf32> to vector<16xf32>
      %get3A_175 = arith.index_cast %scan3A_130 : i32 to index
      %get3A_176 = arith.constant 48 : index
      %get3A_177 = tpu.vector_load %arg10[%get3A_175, %get3A_176] {strides = array<i32>} : memref<200x128xf32, #tpu.memory_space<vmem>>, vector<1x16xf32>,
      %get3A_178 = vector.shape_cast %get3A_177 : vector<1x16xf32> to vector<16xf32>
      %add3A_179 = arith.addf %get3A_174, %get3A_178 : vector<16xf32>
      %swap3A_180 = arith.index_cast %scan3A_130 : i32 to index
      %swap3A_181 = arith.constant 48 : index
      %swap3A_182 = tpu.vector_load %arg14[%swap3A_180, %swap3A_181] {strides = array<i32>} : memref<200x128xf32, #tpu.memory_space<vmem>>, vector<1x16xf32>,
      %swap3A_183 = vector.shape_cast %swap3A_182 : vector<1x16xf32> to vector<16xf32>
      %swap3A_184 = vector.shape_cast %add3A_179 : vector<16xf32> to vector<1x16xf32>
      tpu.vector_store %arg14[%swap3A_180, %swap3A_181], %swap3A_184 {strides = array<i32>} : memref<200x128xf32, #tpu.memory_space<vmem>>, vector<1x16xf32>,
      %get3A_185 = arith.index_cast %scan3A_130 : i32 to index
      %get3A_186 = arith.constant 64 : index
      %get3A_187 = tpu.vector_load %arg14[%get3A_185, %get3A_186] {strides = array<i32>} : memref<200x128xf32, #tpu.memory_space<vmem>>, vector<1x16xf32>,
      %get3A_188 = vector.shape_cast %get3A_187 : vector<1x16xf32> to vector<16xf32>
      %get3A_189 = arith.index_cast %scan3A_130 : i32 to index
      %get3A_190 = arith.constant 64 : index
      %get3A_191 = tpu.vector_load %arg10[%get3A_189, %get3A_190] {strides = array<i32>} : memref<200x128xf32, #tpu.memory_space<vmem>>, vector<1x16xf32>,
      %get3A_192 = vector.shape_cast %get3A_191 : vector<1x16xf32> to vector<16xf32>
      %add3A_193 = arith.addf %get3A_188, %get3A_192 : vector<16xf32>
      %swap3A_194 = arith.index_cast %scan3A_130 : i32 to index
      %swap3A_195 = arith.constant 64 : index
      %swap3A_196 = tpu.vector_load %arg14[%swap3A_194, %swap3A_195] {strides = array<i32>} : memref<200x128xf32, #tpu.memory_space<vmem>>, vector<1x16xf32>,
      %swap3A_197 = vector.shape_cast %swap3A_196 : vector<1x16xf32> to vector<16xf32>
      %swap3A_198 = vector.shape_cast %add3A_193 : vector<16xf32> to vector<1x16xf32>
      tpu.vector_store %arg14[%swap3A_194, %swap3A_195], %swap3A_198 {strides = array<i32>} : memref<200x128xf32, #tpu.memory_space<vmem>>, vector<1x16xf32>,
      %get3A_199 = arith.index_cast %scan3A_130 : i32 to index
      %get3A_200 = arith.constant 80 : index
      %get3A_201 = tpu.vector_load %arg14[%get3A_199, %get3A_200] {strides = array<i32>} : memref<200x128xf32, #tpu.memory_space<vmem>>, vector<1x16xf32>,
      %get3A_202 = vector.shape_cast %get3A_201 : vector<1x16xf32> to vector<16xf32>
      %get3A_203 = arith.index_cast %scan3A_130 : i32 to index
      %get3A_204 = arith.constant 80 : index
      %get3A_205 = tpu.vector_load %arg10[%get3A_203, %get3A_204] {strides = array<i32>} : memref<200x128xf32, #tpu.memory_space<vmem>>, vector<1x16xf32>,
      %get3A_206 = vector.shape_cast %get3A_205 : vector<1x16xf32> to vector<16xf32>
      %add3A_207 = arith.addf %get3A_202, %get3A_206 : vector<16xf32>
      %swap3A_208 = arith.index_cast %scan3A_130 : i32 to index
      %swap3A_209 = arith.constant 80 : index
      %swap3A_210 = tpu.vector_load %arg14[%swap3A_208, %swap3A_209] {strides = array<i32>} : memref<200x128xf32, #tpu.memory_space<vmem>>, vector<1x16xf32>,
      %swap3A_211 = vector.shape_cast %swap3A_210 : vector<1x16xf32> to vector<16xf32>
      %swap3A_212 = vector.shape_cast %add3A_207 : vector<16xf32> to vector<1x16xf32>
      tpu.vector_store %arg14[%swap3A_208, %swap3A_209], %swap3A_212 {strides = array<i32>} : memref<200x128xf32, #tpu.memory_space<vmem>>, vector<1x16xf32>,
      %get3A_213 = arith.index_cast %scan3A_130 : i32 to index
      %get3A_214 = arith.constant 96 : index
      %get3A_215 = tpu.vector_load %arg14[%get3A_213, %get3A_214] {strides = array<i32>} : memref<200x128xf32, #tpu.memory_space<vmem>>, vector<1x16xf32>,
      %get3A_216 = vector.shape_cast %get3A_215 : vector<1x16xf32> to vector<16xf32>
      %get3A_217 = arith.index_cast %scan3A_130 : i32 to index
      %get3A_218 = arith.constant 96 : index
      %get3A_219 = tpu.vector_load %arg10[%get3A_217, %get3A_218] {strides = array<i32>} : memref<200x128xf32, #tpu.memory_space<vmem>>, vector<1x16xf32>,
      %get3A_220 = vector.shape_cast %get3A_219 : vector<1x16xf32> to vector<16xf32>
      %add3A_221 = arith.addf %get3A_216, %get3A_220 : vector<16xf32>
      %swap3A_222 = arith.index_cast %scan3A_130 : i32 to index
      %swap3A_223 = arith.constant 96 : index
      %swap3A_224 = tpu.vector_load %arg14[%swap3A_222, %swap3A_223] {strides = array<i32>} : memref<200x128xf32, #tpu.memory_space<vmem>>, vector<1x16xf32>,
      %swap3A_225 = vector.shape_cast %swap3A_224 : vector<1x16xf32> to vector<16xf32>
      %swap3A_226 = vector.shape_cast %add3A_221 : vector<16xf32> to vector<1x16xf32>
      tpu.vector_store %arg14[%swap3A_222, %swap3A_223], %swap3A_226 {strides = array<i32>} : memref<200x128xf32, #tpu.memory_space<vmem>>, vector<1x16xf32>,
      %get3A_227 = arith.index_cast %scan3A_130 : i32 to index
      %get3A_228 = arith.constant 112 : index
      %get3A_229 = tpu.vector_load %arg14[%get3A_227, %get3A_228] {strides = array<i32>} : memref<200x128xf32, #tpu.memory_space<vmem>>, vector<1x16xf32>,
      %get3A_230 = vector.shape_cast %get3A_229 : vector<1x16xf32> to vector<16xf32>
      %get3A_231 = arith.index_cast %scan3A_130 : i32 to index
      %get3A_232 = arith.constant 112 : index
      %get3A_233 = tpu.vector_load %arg10[%get3A_231, %get3A_232] {strides = array<i32>} : memref<200x128xf32, #tpu.memory_space<vmem>>, vector<1x16xf32>,
      %get3A_234 = vector.shape_cast %get3A_233 : vector<1x16xf32> to vector<16xf32>
      %add3A_235 = arith.addf %get3A_230, %get3A_234 : vector<16xf32>
      %swap3A_236 = arith.index_cast %scan3A_130 : i32 to index
      %swap3A_237 = arith.constant 112 : index
      %swap3A_238 = tpu.vector_load %arg14[%swap3A_236, %swap3A_237] {strides = array<i32>} : memref<200x128xf32, #tpu.memory_space<vmem>>, vector<1x16xf32>,
      %swap3A_239 = vector.shape_cast %swap3A_238 : vector<1x16xf32> to vector<16xf32>
      %swap3A_240 = vector.shape_cast %add3A_235 : vector<16xf32> to vector<1x16xf32>
      tpu.vector_store %arg14[%swap3A_236, %swap3A_237], %swap3A_240 {strides = array<i32>} : memref<200x128xf32, #tpu.memory_space<vmem>>, vector<1x16xf32>,
    }
    %scan3A_99 = arith.constant 200 : i32
    %add3A_100 = arith.constant 25400 : i32
    %add3A_101 = arith.addi %mul3A_2, %add3A_100 : i32
    %dma_start3A_102 = arith.constant 0 : i32
    %dma_start3A_103 = tpu.memref_slice %arg5[%add3A_101, %dma_start3A_102] : memref<819200x128xf32, #tpu.memory_space<hbm>> -> memref<200x128xf32, #tpu.memory_space<hbm>>
    %dma_start3A_104 = arith.constant 0 : i32
    %dma_start3A_105 = tpu.memref_slice %arg5[%add3A_101, %dma_start3A_104] : memref<819200x128xf32, #tpu.memory_space<hbm>> -> memref<200x128xf32, #tpu.memory_space<hbm>>
    tpu.enqueue_dma source(%arg14 : memref<200x128xf32, #tpu.memory_space<vmem>>) target(%dma_start3A_105 : memref<200x128xf32, #tpu.memory_space<hbm>>) target_semaphore(%arg26 : memref<!tpu.dma_semaphore, #tpu.memory_space<semaphore_mem>>)
    %add3A_106 = arith.constant 24800 : i32
    %add3A_107 = arith.addi %mul3A_2, %add3A_106 : i32
    %dma_wait3A_108 = arith.constant 0 : i32
    %dma_wait3A_109 = tpu.memref_slice %arg5[%add3A_107, %dma_wait3A_108] : memref<819200x128xf32, #tpu.memory_space<hbm>> -> memref<200x128xf32, #tpu.memory_space<hbm>>
    %dma_wait3A_110 = arith.constant 0 : i32
    %dma_wait3A_111 = tpu.memref_slice %arg5[%add3A_107, %dma_wait3A_110] : memref<819200x128xf32, #tpu.memory_space<hbm>> -> memref<200x128xf32, #tpu.memory_space<hbm>>
    tpu.wait_dma2 semaphore(%arg23 : memref<!tpu.dma_semaphore, #tpu.memory_space<semaphore_mem>>) src(%arg11 : memref<200x128xf32, #tpu.memory_space<vmem>>) dst(%dma_wait3A_111 : memref<200x128xf32, #tpu.memory_space<hbm>>)
    %add3A_112 = arith.constant 25000 : i32
    %add3A_113 = arith.addi %mul3A_2, %add3A_112 : i32
    %dma_wait3A_114 = arith.constant 0 : i32
    %dma_wait3A_115 = tpu.memref_slice %arg5[%add3A_113, %dma_wait3A_114] : memref<819200x128xf32, #tpu.memory_space<hbm>> -> memref<200x128xf32, #tpu.memory_space<hbm>>
    %dma_wait3A_116 = arith.constant 0 : i32
    %dma_wait3A_117 = tpu.memref_slice %arg5[%add3A_113, %dma_wait3A_116] : memref<819200x128xf32, #tpu.memory_space<hbm>> -> memref<200x128xf32, #tpu.memory_space<hbm>>
    tpu.wait_dma2 semaphore(%arg24 : memref<!tpu.dma_semaphore, #tpu.memory_space<semaphore_mem>>) src(%arg12 : memref<200x128xf32, #tpu.memory_space<vmem>>) dst(%dma_wait3A_117 : memref<200x128xf32, #tpu.memory_space<hbm>>)
    %add3A_118 = arith.constant 25200 : i32
    %add3A_119 = arith.addi %mul3A_2, %add3A_118 : i32
    %dma_wait3A_120 = arith.constant 0 : i32
    %dma_wait3A_121 = tpu.memref_slice %arg5[%add3A_119, %dma_wait3A_120] : memref<819200x128xf32, #tpu.memory_space<hbm>> -> memref<200x128xf32, #tpu.memory_space<hbm>>
    %dma_wait3A_122 = arith.constant 0 : i32
    %dma_wait3A_123 = tpu.memref_slice %arg5[%add3A_119, %dma_wait3A_122] : memref<819200x128xf32, #tpu.memory_space<hbm>> -> memref<200x128xf32, #tpu.memory_space<hbm>>
    tpu.wait_dma2 semaphore(%arg25 : memref<!tpu.dma_semaphore, #tpu.memory_space<semaphore_mem>>) src(%arg13 : memref<200x128xf32, #tpu.memory_space<vmem>>) dst(%dma_wait3A_123 : memref<200x128xf32, #tpu.memory_space<hbm>>)
    %add3A_124 = arith.constant 25400 : i32
    %add3A_125 = arith.addi %mul3A_2, %add3A_124 : i32
    %dma_wait3A_126 = arith.constant 0 : i32
    %dma_wait3A_127 = tpu.memref_slice %arg5[%add3A_125, %dma_wait3A_126] : memref<819200x128xf32, #tpu.memory_space<hbm>> -> memref<200x128xf32, #tpu.memory_space<hbm>>
    %dma_wait3A_128 = arith.constant 0 : i32
    %dma_wait3A_129 = tpu.memref_slice %arg5[%add3A_125, %dma_wait3A_128] : memref<819200x128xf32, #tpu.memory_space<hbm>> -> memref<200x128xf32, #tpu.memory_space<hbm>>
    tpu.wait_dma2 semaphore(%arg26 : memref<!tpu.dma_semaphore, #tpu.memory_space<semaphore_mem>>) src(%arg14 : memref<200x128xf32, #tpu.memory_space<vmem>>) dst(%dma_wait3A_129 : memref<200x128xf32, #tpu.memory_space<hbm>>)
    return
  }
}

</mosaic_0001>

<sc_bundles>
// kernel: _run.3.cloned.1.call-start
scs
__scs_entry_jumppad:
0x0: {  	(pc) =	sbr.rel $0x88, $3  }
0x1: {  	(tag) =	ssettag $0x0;
	lr =	simm.s32 $0x1  }
0x2: {  	[smem:$0x3F9E] =	sst lr;
	_ =	strace $0xD0000000  }
0x3: {  	_ = 	snop  }
0x4: {  	_ = 	snop  }
0x5: {  	_ = 	snop  }
0x6: {  	_ = 	snop  }
0x7: {  	_ = 	snop  }
__scs_overlays_trampoline_lowered:
0x8: {  	[smem:$0x3FAD] =	sst s0  }
0x9: {  	[smem:$0x3FAE] =	sst s1  }
0xa: {  	[smem:$0x3FAF] =	sst s2  }
0xb: {  	[smem:$0x3FB0] =	sst s3  }
0xc: {  	[smem:$0x3FB1] =	sst s4  }
0xd: {  	[smem:$0x3FB2] =	sst s5  }
0xe: {  	[smem:$0x3FB3] =	sst s6  }
0xf: {  	[smem:$0x3FB4] =	sst s7  }
0x10: {  	[smem:$0x3FB5] =	sst s8  }
0x11: {  	[smem:$0x3FB6] =	sst s9;
	s0 =	simm.s32 @!p0 $0x0  }
0x12: {  	s1 =	sld [smem:$0x3F9C];
	s0 =	simm.s32 @p0 $0x1  }
0x13: {  	[smem:$0x3FB7] =	sst s0;
	s0 =	simm.s32 @!p1 $0x0  }
0x14: {  	s2 =	sld [smem:$0x3F9B];
	s0 =	simm.s32 @p1 $0x1  }
0x15: {  	[smem:$0x3FB8] =	sst s0;
	s0 =	simm.s32 @!p2 $0x0  }
0x16: {  	s3 =	sld [smem:$0x3FDB];
	s0 =	simm.s32 @p2 $0x1  }
0x17: {  	s4 =	simm.s32 $0x1BF5;
	[smem:$0x3FBA] =	sst s0  }
0x18: {  	s0 =	sld [smem:$0x3F9D];
	_ =	swait.ge [sflag:s4], $0x0  }
0x19: {  	s7 =	sld [smem:$0x3F9E]  }
0x1a: {  	s8 =	sadd.s32 $0xFFFFE003, lr  }
0x1b: {  	s9 =	sadd.s32 $0xFFFFFEF7, lr;
	s5 =	simm.s32 $0xFFFFFFFF;
	p2 =	slt.u32 s8, $0xFFFFF086  }
0x1c: {  	p1 =	slt.u32 s9, $0xF7A;
	s5 =	simm.s32 @!p2 $0x0  }
0x1d: {  	s5 =	simm.s32 @p1 $0x1;
	p0 =	seq.s32 s7, s2  }
0x1e: {  	s7 =	smul.u32 @!p0 $0xF7A, s2;
	p2 =	seq.s32 @!p0 s5, $0x0  }
0x1f: {  	s9 =	smul.u32 $0xF7A, s1;
	s8 =	simm.s32 @!p0 $0x1BF5;
	p2 =	por !p2, p0  }
0x20: {  	[sflag:s8] =	ssyncset.s32 @!p0 $0xFFFFF086;
	s6 =	sadd.s32 @!p0 s3, s7;
	s7 =	simm.s32 @!p0 $0x108  }
0x21: {  	s3 =	sadd.s32 s3, s9;
	s6 =	sadd.s32 @!p0 $0x88, s6;
	s7 =	simm.s32 @p2 $0x1082  }
0x22: {  	[simem:s7], [sflag:s8] =	dma.local @!p0 [hbm:s6], $0xF7A  }
0x23: {  	s9 =	sor.u32 $0xD0000000, s2;
	s6 =	simm.s32 $0x108;
	_ =	swait.ge @!p0 [sflag:s8], $0x0  }
0x24: {  	s3 =	sadd.s32 $0x88, s3;
	s6 =	simm.s32 @!p1 $0x1082;
	[sflag:s4] =	ssyncset.s32 $0xFFFFF086  }
0x25: {  	[simem:s6], [sflag:s4] =	dma.local [hbm:s3], $0xF7A  }
0x26: {  	[smem:$0x3F9E] =	sst s1;
	(tag) =	ssettag s2;
	_ =	strace s9  }
0x27: {  	s1 =	sld [smem:$0x3FAE]  }
0x28: {  	s2 =	sld [smem:$0x3FAF]  }
0x29: {  	s4 =	sld [smem:$0x3FB1]  }
0x2a: {  	p0 =	seq.s32 s5, $0x0;
	s5 =	sld [smem:$0x3FB2]  }
0x2b: {  	s6 =	sld [smem:$0x3FB3]  }
0x2c: {  	s7 =	sld [smem:$0x3FB4]  }
0x2d: {  	s3 =	simm.s32 $0x108;
	s8 =	sld [smem:$0x3FB5]  }
0x2e: {  	s3 =	simm.s32 @!p0 $0x1082;
	s9 =	sld [smem:$0x3FB6]  }
0x2f: {  	lr =	sadd.s32 s0, s3;
	s0 =	sld [smem:$0x3FAD]  }
0x30: {  	s3 =	sld [smem:$0x3FB0]  }
0x31: {  	[smem:$0x3FB9] =	sst s10  }
0x32: {  	s10 =	sld [smem:$0x3FB7];
	_ =	sdelay $0x3  }
0x33: {  	p0 =	seq.s32 s10, $0x1;
	s10 =	sld [smem:$0x3FB9];
	_ =	sdelay $0x3  }
0x34: {  	[smem:$0x3FB9] =	sst s10  }
0x35: {  	s10 =	sld [smem:$0x3FB8];
	_ =	sdelay $0x3  }
0x36: {  	p1 =	seq.s32 s10, $0x1;
	s10 =	sld [smem:$0x3FB9];
	_ =	sdelay $0x3  }
0x37: {  	[smem:$0x3FB9] =	sst s10  }
0x38: {  	s10 =	sld [smem:$0x3FBA]  }
0x39: {  	_ = 	snop;
	(pc) =	sbr.ind lr, $3  }
0x3a: {  	_ = 	snop  }
0x3b: {  	_ = 	snop  }
0x3c: {  	p2 =	seq.s32 s10, $0x1;
	s10 =	sld [smem:$0x3FB9]  }
0x3d: {  	_ =	shalt  }
0x3e: {  	_ =	shalt  }
0x3f: {  	_ =	shalt  }
0x40: {  	_ =	shalt  }
0x41: {  	_ =	shalt  }
0x42: {  	_ =	shalt  }
0x43: {  	_ =	shalt  }
0x44: {  	_ =	shalt  }
0x45: {  	_ =	shalt  }
0x46: {  	_ =	shalt  }
0x47: {  	_ =	shalt  }
0x48: {  	_ =	shalt  }
0x49: {  	_ =	shalt  }
0x4a: {  	_ =	shalt  }
0x4b: {  	_ =	shalt  }
0x4c: {  	_ =	shalt  }
0x4d: {  	_ =	shalt  }
0x4e: {  	_ =	shalt  }
0x4f: {  	_ =	shalt  }
0x50: {  	_ =	shalt  }
0x51: {  	_ =	shalt  }
0x52: {  	_ =	shalt  }
0x53: {  	_ =	shalt  }
0x54: {  	_ =	shalt  }
0x55: {  	_ =	shalt  }
0x56: {  	_ =	shalt  }
0x57: {  	_ =	shalt  }
0x58: {  	_ =	shalt  }
0x59: {  	_ =	shalt  }
0x5a: {  	_ =	shalt  }
0x5b: {  	_ =	shalt  }
0x5c: {  	_ =	shalt  }
0x5d: {  	_ =	shalt  }
0x5e: {  	_ =	shalt  }
0x5f: {  	_ =	shalt  }
0x60: {  	_ =	shalt  }
0x61: {  	_ =	shalt  }
0x62: {  	_ =	shalt  }
0x63: {  	_ =	shalt  }
0x64: {  	_ =	shalt  }
0x65: {  	_ =	shalt  }
0x66: {  	_ =	shalt  }
0x67: {  	_ =	shalt  }
0x68: {  	_ =	shalt  }
0x69: {  	_ =	shalt  }
0x6a: {  	_ =	shalt  }
0x6b: {  	_ =	shalt  }
0x6c: {  	_ =	shalt  }
0x6d: {  	_ =	shalt  }
0x6e: {  	_ =	shalt  }
0x6f: {  	_ =	shalt  }
0x70: {  	_ =	shalt  }
0x71: {  	_ =	shalt  }
0x72: {  	_ =	shalt  }
0x73: {  	_ =	shalt  }
0x74: {  	_ =	shalt  }
0x75: {  	_ =	shalt  }
0x76: {  	_ =	shalt  }
0x77: {  	_ =	shalt  }
0x78: {  	_ =	shalt  }
0x79: {  	_ =	shalt  }
0x7a: {  	_ =	shalt  }
0x7b: {  	_ =	shalt  }
0x7c: {  	_ =	shalt  }
0x7d: {  	_ =	shalt  }
0x7e: {  	_ =	shalt  }
0x7f: {  	_ =	shalt  }
0x80: {  	_ =	shalt  }
0x81: {  	_ =	shalt  }
0x82: {  	_ =	shalt  }
0x83: {  	_ =	shalt  }
0x84: {  	_ =	shalt  }
0x85: {  	_ =	shalt  }
0x86: {  	_ =	shalt  }
0x87: {  	_ =	shalt  }
.Lfunc_end0:
.L_simem_size_0:
called_computation_lowered:
.L_overlay_start_0:
0x88: {  	s2 =	sld [smem:$0x3FD9]  }
0x89: {  	s3 =	sld [smem:$0x3FFE];
	_ =	sdelay $0x1  }
0x8a: {  	s1 =	srdreg.scid  }
0x8b: {  	s0 =	sand.u32 $0x1, s1  }
0x8c: {  	s18 =	sshll.u32 s0, $0xA;
	s2 =	sadd.s32 s3, s2  }
0x8d: {  	s2 =	sadd.s32 s2, s18  }
0x8e: {  	[smem:$0x3FC5] =	sst s2  }
0x8f: {  	_ = 	snop  }
0x90: {  	s2 =	sld [smem:$0x3FC9]  }
0x91: {  	s19 =	sld [smem:$0x3FC8]  }
0x92: {  	s4 =	sld [smem:$0x3FC7]  }
0x93: {  	s5 =	sld [smem:$0x3FD0];
	(tm) =	ssettm $0x1  }
0x94: {  	s6 =	sld [smem:$0x3FFB];
	_ =	sdelay $0x3  }
0x95: {  	_ =	strace s6  }
0x96: {  	s6 =	sld [smem:$0x3FFC];
	_ =	sdelay $0x3  }
0x97: {  	_ =	strace s6  }
0x98: {  	s6 =	sld [smem:$0x3FFD];
	_ =	sdelay $0x3  }
0x99: {  	_ =	strace s6  }
0x9a: {  	_ =	strace $0x8FFFFFFF  }
0x9b: {  	s20 =	sld [smem:$0x3FDB];
	_ =	sdelay $0x1  }
0x9c: {  	s7 =	simm.s32 $_scs_section_size  }
0x9d: {  	s8 =	simm.s32 $_size__tile_overlayer_lowered;
	s9 =	simm.s32 $_tile_overlayer_lowered  }
0x9e: {  	s23 =	simm.s32 $0x1BFF;
	s22 =	sshll.u32 s9, $0x1;
	s6 =	sadd.s32 s7, s20  }
0x9f: {  	s10 =	simm.s32 $0x0;
	s21 =	sshll.u32 s8, $0x1;
	s8 =	sadd.s32 s22, s6  }
0xa0: {  	[timem:s10], [sflag:s23] =	dma.local [hbm:s8], s21  }
0xa1: {  	_ =	swait.ge [sflag:s23], s21  }
0xa2: {  	s7 =	ssub.s32 $0x0, s21;
	[sflag:s23] =	ssyncset.done $0x0  }
0xa3: {  	[sflag:s23] =	ssyncadd.s32 s7;
	_ =	sdelay $0x1  }
0xa4: {  	s24 =	simm.s32 $0x1B8B  }
0xa5: {  	_ =	swait.ge [sflag:s24], $0x1  }
0xa6: {  	[sflag:s24] =	ssyncset.done $0x0  }
0xa7: {  	s25 =	simm.s32 $0x1B8E;
	[sflag:s24] =	ssyncadd.s32 $0xFFFFFFFF  }
0xa8: {  	s26 =	simm.s32 $execute0_lowered;
	[smem:$0x3FD2] =	sst s25  }
0xa9: {  	s7 =	sshll.u32 s26, $0x1;
	_ =	strace $0x80000046;
	[dreg:$0x1] =	wrdreg $0xFFFFFFFF  }
0xaa: {  	s28 =	simm.s32 $_size_execute0_lowered;
	s6 =	sadd.s32 s6, s7;
	[dreg:$0x0] =	wrdreg $0x0  }
0xab: {  	s7 =	sshll.u32 s28, $0x1;
	[dreg:$0x2] =	wrdreg s6  }
0xac: {  	[dreg:$0x3] =	wrdreg s7  }
0xad: {  	[dreg:$0x4] =	wrdreg $0xC0  }
0xae: {  	_ =	task [dreg:s10], $0x5FFFF  }
0xaf: {  	[dreg:$0x1] =	wrdreg $0xFFFFFFFF  }
0xb0: {  	[dreg:$0x0] =	wrdreg $0x60  }
0xb1: {  	[dreg:$0x2] =	wrdreg s2  }
0xb2: {  	[dreg:$0x3] =	wrdreg s19  }
0xb3: {  	[dreg:$0x4] =	wrdreg s4  }
0xb4: {  	[dreg:$0x5] =	wrdreg s5  }
0xb5: {  	[dreg:$0x6] =	wrdreg $0x9  }
0xb6: {  	_ =	task.clear_ibuf [dreg:s10], $0x7FFFF;
	_ =	strace $0x90000046  }
0xb7: {  	s29 =	simm.s32 $0x9;
	_ =	strace $0x80000048  }
0xb8: {  	_ =	swait.ge [sflag:s29], $0x1  }
0xb9: {  	[sflag:s29] =	ssyncadd.s32 $0xFFFFFFFF  }
0xba: {  	_ =	strace $0x90000048  }
0xbb: {  	_ =	sfence  }
0xbc: {  	s30 =	sld [smem:$0x0];
	_ =	sdelay $0x2  }
0xbd: {  	s31 =	sshll.u32 s1, $0xD;
	s1 =	sshrl.u32 s1, $0x2  }
0xbe: {  	s3 =	sand.u32 $0x4000, s31;
	s1 =	sadd.s32 s1, s30  }
0xbf: {  	s0 =	sor.u32 s3, s0;
	s1 =	sshll.u32 s1, $0x11  }
0xc0: {  	s0 =	sor.u32 s1, s0  }
0xc1: {  	s0 =	sadd.s32 $0x8F2B, s0  }
0xc2: {  	[sflag:s0] =	ssyncadd.remote.s32 $0x1  }
0xc3: {  	_ =	sfence.sel $0xFFFF  }
0xc4: {  	[dreg:$0x0] =	wrdreg $0xFFFFFFFF;
	(pc) =	sbr.abs _section_cstart, $3  }
0xc5: {  	[dreg:$0x1] =	wrdreg $0xFFFFFFFF  }
0xc6: {  	_ =	task.clear_ibuf [dreg:s10], $0x2FFFF;
	_ =	strace $0x9FFFFFFF  }
0xc7: {  	(tm) =	ssettm $0x7FFFFFFF  }
tec
execute0_lowered:
.L_overlay_start_1:
0x0: {  	(tag) =	ssettag $0x1  }
0x1: {  	s1 =	rddreg [dreg:$0x0]  }
0x2: {  	s2 =	rddreg [dreg:$0x1];
	s0 =	srdreg.scid  }
0x3: {  	s3 =	stileid.u32;
	s5 =	rddreg [dreg:$0x3];
	s6 =	simm.s32 $0x0  }
0x4: {  	s30 =	simm.s32 $0x200;
	s31 =	simm.s32 $0x300;
	s11 =	simm.s32 $0x4  }
0x5: {  	s12 =	simm.s32 $0x19400;
	s0 =	sand.u32 $0x1, s0;
	s3 =	sshll.u32 s3, $0x1  }
0x6: {  	s28 =	simm.s32 $0xB;
	s29 =	simm.s32 $0xC;
	s3 =	sor.u32 s0, s3  }
0x7: {  	[smem:$0x7FF] =	sst s6;
	s0 =	ssub.s32 $0x2, s0;
	s4 =	smul.u32 $0x6400, s3  }
0x8: {  	_ =	strace $0x80000047;
	s7 =	sshrl.u32 s0, $0x1;
	s9 =	smul.u32 $0x64000, s3  }
0x9: {  	s3 =	smul.u32 $0x320000, s3;
	s0 =	ssub.s32 s0, s7;
	s13 =	sshrl.u32 s4, $0x3  }
0xa: {  	s8 =	sor.u32 $0xC8, s4;
	s17 =	sadd.s32 s5, s9;
	s21 =	sor.u32 $0x190, s4  }
0xb: {  	s22 =	sadd.s32 $0x4B0, s4;
	s23 =	sor.u32 $0x258, s4;
	[dreg:$0x9] =	wrdreg s17  }
0xc: {  	s24 =	sadd.s32 $0x578, s4;
	s25 =	sor.u32 $0x320, s4;
	[dreg:$0xd] =	wrdreg s21  }
0xd: {  	s3 =	sshrl.u32 s3, $0x3;
	s0 =	smax.u32 s0, $0x1;
	[dreg:$0xe] =	wrdreg s22  }
0xe: {  	s9 =	simm.s32 $0x13000;
	s10 =	sadd.s32 s1, s13;
	[dreg:$0xf] =	wrdreg s23  }
0xf: {  	s14 =	sshrl.u32 s8, $0x3;
	s19 =	sshll.u32 s8, $0x4;
	[dreg:$0x10] =	wrdreg s24  }
0x10: {  	[dreg:$0x11] =	wrdreg s25;
	s21 =	sor.u32 $0x3E8, s4;
	s3 =	sadd.s32 s5, s3  }
0x11: {  	s22 =	sadd.s32 $0x708, s4;
	[dreg:$0x14] =	wrdreg s0;
	s0 =	simm.s32 $0x6800  }
0x12: {  	s8 =	simm.s32 $0x3;
	s7 =	sadd.s32 s1, s14;
	[dreg:$0x5] =	wrdreg s10  }
0x13: {  	s13 =	simm.s32 $0x7;
	s15 =	sadd.s32 $0x32, s10;
	[dreg:$0x6] =	wrdreg s7  }
0x14: {  	s23 =	simm.s32 $0x9;
	s16 =	sadd.s32 $0x4B, s10;
	[dreg:$0x7] =	wrdreg s15  }
0x15: {  	s24 =	simm.s32 $0x8;
	s18 =	sadd.s32 $0x64, s10;
	[dreg:$0x8] =	wrdreg s16  }
0x16: {  	s25 =	simm.s32 $0x2;
	s20 =	sadd.s32 $0x7D, s10;
	[dreg:$0xa] =	wrdreg s18  }
0x17: {  	s26 =	sadd.s32 $0x62700, s3;
	s3 =	sadd.s32 $0x63380, s3;
	[dreg:$0xc] =	wrdreg s20  }
0x18: {  	s10 =	simm.s32 $0x6;
	s14 =	simm.s32 $0x1;
	[dreg:$0x12] =	wrdreg s26  }
0x19: {  	s7 =	sadd.s32 s5, s19;
	s20 =	sadd.s32 $0x640, s4;
	[dreg:$0x13] =	wrdreg s3  }
0x1a: {  	s3 =	simm.s32 $0xC8;
	s4 =	simm.s32 $0xCC00;
	s26 =	simm.s32 $0x5  }
0x1b: {  	s16 =	simm.s32 $0x0;
	[dreg:$0xb] =	wrdreg s7;
	s7 =	simm.s32 $0xA  }
.LBB2_1:
0x1c: {  	[dreg:$0x15] =	wrdreg s16  }
0x1d: {  	s15 =	rddreg [dreg:$0x2];
	s17 =	simm.s32 $0x400;
	s16 =	simm.s32 $0xD  }
0x1e: {  	[tilespmem:s17], [sflag:$0xD] =	stream.linear.gather [hbm4b:s15+s6], $0x6400, $0x38;
	[tilespmem:$0x1F800] =	vst v63  }
0x1f: {  	_ =	swait.ge [sflag:s16], $0x6400  }
0x20: {  	[sflag:s16] =	ssyncset.done $0x0  }
0x21: {  	s18 =	rddreg [dreg:$0x5];
	[sflag:s16] =	ssyncadd.s32 $0xFFFF9C00  }
0x22: {  	[tilespmem:s6], [sflag:$0xD] =	stream.linear.gather [hbm4b:s18+s6], $0xC8, $0x38;
	[tilespmem:$0x1F800] =	vst v63  }
0x23: {  	_ =	swait.ge [sflag:s16], $0xC8  }
0x24: {  	[sflag:s16] =	ssyncset.done $0x0  }
0x25: {  	s17 =	simm.s32 $0x100;
	s19 =	rddreg [dreg:$0x6];
	[sflag:s16] =	ssyncadd.s32 $0xFFFFFF38  }
0x26: {  	[tilespmem:s17], [sflag:$0xD] =	stream.linear.gather [hbm4b:s19+s6], $0xC8, $0x38;
	[tilespmem:$0x1F800] =	vst v63  }
0x27: {  	_ =	swait.ge [sflag:s16], $0xC8  }
0x28: {  	[sflag:s16] =	ssyncset.done $0x0  }
0x29: {  	s18 =	rddreg [dreg:$0x7];
	[sflag:s16] =	ssyncadd.s32 $0xFFFFFF38  }
0x2a: {  	[tilespmem:s30], [sflag:$0x3] =	stream.linear.gather [hbm4b:s18+s6], $0xC8, $0x38;
	[tilespmem:$0x1F800] =	vst v63  }
0x2b: {  	s19 =	rddreg [dreg:$0x8]  }
0x2c: {  	[tilespmem:s31], [sflag:$0x4] =	stream.linear.gather [hbm4b:s19+s6], $0xC8, $0x38;
	[tilespmem:$0x1F800] =	vst v63  }
0x2d: {  	_ = 	snop  }
0x2e: {  	[tilespmem:s0], [sflag:$0x5] =	stream.indirect.gather [hbm4b:s2+s3], $0x80, s6, s3, $0xb8;
	[tilespmem:$0x1F800] =	vst v63  }
0x2f: {  	_ = 	snop  }
0x30: {  	[tilespmem:s4], [sflag:$0x6] =	stream.indirect.gather [hbm4b:s2+s3], $0x80, s17, s3, $0xb8;
	[tilespmem:$0x1F800] =	vst v63  }
0x31: {  	_ =	swait.ge [sflag:s26], $0x6400  }
0x32: {  	[sflag:s26] =	ssyncset.done $0x0  }
0x33: {  	s15 =	simm.s32 $0x0;
	[sflag:s26] =	ssyncadd.s32 $0xFFFF9C00  }
0x34: {  	v7 =	vld [tilespmem:s15+$0x400]  }
0x35: {  	v11 =	vld [tilespmem:s15+$0x410]  }
0x36: {  	v5 =	vld [tilespmem:s15+$0x420]  }
0x37: {  	v4 =	vld [tilespmem:s15+$0x430]  }
0x38: {  	v3 =	vld [tilespmem:s15+$0x440]  }
0x39: {  	v2 =	vld [tilespmem:s15+$0x450]  }
0x3a: {  	v1 =	vld [tilespmem:s15+$0x460]  }
0x3b: {  	v0 =	vld [tilespmem:s15+$0x470]  }
0x3c: {  	v12 =	vld [tilespmem:s15+$0x6800]  }
0x3d: {  	v13 =	vld [tilespmem:s15+$0x6810]  }
0x3e: {  	v10 =	vld [tilespmem:s15+$0x6820]  }
0x3f: {  	v9 =	vld [tilespmem:s15+$0x6830]  }
0x40: {  	v8 =	vld [tilespmem:s15+$0x6840]  }
0x41: {  	v6 =	vld [tilespmem:s15+$0x6850];
	v12 =	vadd.f32 v7, v12  }
0x42: {  	s16 =	simm.s32 $0x200;
	v11 =	vadd.f32 v11, v13;
	v7 =	vld [tilespmem:s15+$0x6860]  }
.LBB2_2:
0x43: {  	s17 =	sshra.s32 s16, $0x2;
	p0 =	sne.s32 s16, $0x18E00;
	[tilespmem:s15+$0x6800] =	vst v12;
	v5 =	vadd.f32 v5, v10;
	v10 =	vld [tilespmem:s15+$0x6870]  }
0x44: {  	v12 =	vld [tilespmem:s17+$0x400];
	[tilespmem:s15+$0x6810] =	vst v11;
	v4 =	vadd.f32 v4, v9  }
0x45: {  	v11 =	vld [tilespmem:s17+$0x410];
	[tilespmem:s15+$0x6820] =	vst v5;
	v3 =	vadd.f32 v3, v8  }
0x46: {  	v5 =	vld [tilespmem:s17+$0x420];
	[tilespmem:s15+$0x6830] =	vst v4;
	v2 =	vadd.f32 v2, v6  }
0x47: {  	v4 =	vld [tilespmem:s17+$0x430];
	[tilespmem:s15+$0x6840] =	vst v3;
	v1 =	vadd.f32 v1, v7  }
0x48: {  	v3 =	vld [tilespmem:s17+$0x440];
	[tilespmem:s15+$0x6850] =	vst v2;
	v0 =	vadd.f32 v0, v10  }
0x49: {  	v2 =	vld [tilespmem:s17+$0x450];
	[tilespmem:s15+$0x6860] =	vst v1  }
0x4a: {  	v1 =	vld [tilespmem:s17+$0x460];
	[tilespmem:s15+$0x6870] =	vst v0;
	s15 =	smov.u32 s17  }
0x4b: {  	v0 =	vld [tilespmem:s15+$0x470]  }
0x4c: {  	v6 =	vld [tilespmem:s15+$0x6800]  }
0x4d: {  	v7 =	vld [tilespmem:s15+$0x6810]  }
.Ltmp0:
0x4e: {  	v10 =	vld [tilespmem:s15+$0x6820];
	(pc) =	sbr.rel @p0 .LBB2_2-.Ltmp0, $4  }
0x4f: {  	v9 =	vld [tilespmem:s15+$0x6830]  }
0x50: {  	v8 =	vld [tilespmem:s15+$0x6840]  }
0x51: {  	v12 =	vadd.f32 v12, v6;
	v6 =	vld [tilespmem:s15+$0x6850]  }
0x52: {  	s16 =	sadd.s32 $0x200, s16;
	v11 =	vadd.f32 v11, v7;
	v7 =	vld [tilespmem:s15+$0x6860]  }
0x53: {  	[tilespmem:s15+$0x6800] =	vst v12;
	v5 =	vadd.f32 v5, v10;
	v10 =	vld [tilespmem:s15+$0x6870]  }
0x54: {  	[tilespmem:s15+$0x6810] =	vst v11;
	v4 =	vadd.f32 v4, v9  }
0x55: {  	[tilespmem:s15+$0x6820] =	vst v5;
	v3 =	vadd.f32 v3, v8  }
0x56: {  	[tilespmem:s15+$0x6830] =	vst v4;
	v2 =	vadd.f32 v2, v6  }
0x57: {  	[tilespmem:s15+$0x6840] =	vst v3;
	v1 =	vadd.f32 v1, v7  }
0x58: {  	[tilespmem:s15+$0x6850] =	vst v2;
	v0 =	vadd.f32 v0, v10  }
0x59: {  	[tilespmem:s15+$0x6860] =	vst v1  }
0x5a: {  	s18 =	simm.s32 $0x0;
	s16 =	rddreg [dreg:$0x9];
	[tilespmem:s15+$0x6870] =	vst v0  }
0x5b: {  	[hbm4b:s16+s18] =	stream.linear.scatter [tilespmem:s0], [sflag:$0x9], $0x6400, $0x38;
	[tilespmem:$0x1F800] =	vst v63  }
0x5c: {  	s19 =	rddreg [dreg:$0xa]  }
0x5d: {  	[tilespmem:s18], [sflag:$0x1] =	stream.linear.gather [hbm4b:s19+s18], $0xC8, $0x38;
	[tilespmem:$0x1F800] =	vst v63  }
0x5e: {  	_ =	swait.ge [sflag:s8], $0xC8  }
0x5f: {  	[sflag:s8] =	ssyncset.done $0x0  }
0x60: {  	[sflag:s8] =	ssyncadd.s32 $0xFFFFFF38  }
0x61: {  	[tilespmem:s9], [sflag:$0x7] =	stream.indirect.gather [hbm4b:s2+s3], $0x80, s30, s3, $0xb8;
	[tilespmem:$0x1F800] =	vst v63  }
0x62: {  	_ =	swait.ge [sflag:s10], $0x6400  }
0x63: {  	[sflag:s10] =	ssyncset.done $0x0  }
0x64: {  	s15 =	simm.s32 $0x0;
	[sflag:s10] =	ssyncadd.s32 $0xFFFF9C00  }
0x65: {  	v7 =	vld [tilespmem:s15+$0x400]  }
0x66: {  	v11 =	vld [tilespmem:s15+$0x410]  }
0x67: {  	v5 =	vld [tilespmem:s15+$0x420]  }
0x68: {  	v4 =	vld [tilespmem:s15+$0x430]  }
0x69: {  	v3 =	vld [tilespmem:s15+$0x440]  }
0x6a: {  	v2 =	vld [tilespmem:s15+$0x450]  }
0x6b: {  	v1 =	vld [tilespmem:s15+$0x460]  }
0x6c: {  	v0 =	vld [tilespmem:s15+$0x470]  }
0x6d: {  	v12 =	vld [tilespmem:s15+$0xCC00]  }
0x6e: {  	v13 =	vld [tilespmem:s15+$0xCC10]  }
0x6f: {  	v10 =	vld [tilespmem:s15+$0xCC20]  }
0x70: {  	v9 =	vld [tilespmem:s15+$0xCC30]  }
0x71: {  	v8 =	vld [tilespmem:s15+$0xCC40]  }
0x72: {  	v6 =	vld [tilespmem:s15+$0xCC50];
	v12 =	vadd.f32 v7, v12  }
0x73: {  	s16 =	simm.s32 $0x200;
	v11 =	vadd.f32 v11, v13;
	v7 =	vld [tilespmem:s15+$0xCC60]  }
.LBB2_4:
0x74: {  	s17 =	sshra.s32 s16, $0x2;
	p0 =	sne.s32 s16, $0x18E00;
	[tilespmem:s15+$0xCC00] =	vst v12;
	v5 =	vadd.f32 v5, v10;
	v10 =	vld [tilespmem:s15+$0xCC70]  }
0x75: {  	v12 =	vld [tilespmem:s17+$0x400];
	[tilespmem:s15+$0xCC10] =	vst v11;
	v4 =	vadd.f32 v4, v9  }
0x76: {  	v11 =	vld [tilespmem:s17+$0x410];
	[tilespmem:s15+$0xCC20] =	vst v5;
	v3 =	vadd.f32 v3, v8  }
0x77: {  	v5 =	vld [tilespmem:s17+$0x420];
	[tilespmem:s15+$0xCC30] =	vst v4;
	v2 =	vadd.f32 v2, v6  }
0x78: {  	v4 =	vld [tilespmem:s17+$0x430];
	[tilespmem:s15+$0xCC40] =	vst v3;
	v1 =	vadd.f32 v1, v7  }
0x79: {  	v3 =	vld [tilespmem:s17+$0x440];
	[tilespmem:s15+$0xCC50] =	vst v2;
	v0 =	vadd.f32 v0, v10  }
0x7a: {  	v2 =	vld [tilespmem:s17+$0x450];
	[tilespmem:s15+$0xCC60] =	vst v1  }
0x7b: {  	v1 =	vld [tilespmem:s17+$0x460];
	[tilespmem:s15+$0xCC70] =	vst v0;
	s15 =	smov.u32 s17  }
0x7c: {  	v0 =	vld [tilespmem:s15+$0x470]  }
0x7d: {  	v6 =	vld [tilespmem:s15+$0xCC00]  }
0x7e: {  	v7 =	vld [tilespmem:s15+$0xCC10]  }
.Ltmp1:
0x7f: {  	v10 =	vld [tilespmem:s15+$0xCC20];
	(pc) =	sbr.rel @p0 .LBB2_4-.Ltmp1, $4  }
0x80: {  	v9 =	vld [tilespmem:s15+$0xCC30]  }
0x81: {  	v8 =	vld [tilespmem:s15+$0xCC40]  }
0x82: {  	v12 =	vadd.f32 v12, v6;
	v6 =	vld [tilespmem:s15+$0xCC50]  }
0x83: {  	s16 =	sadd.s32 $0x200, s16;
	v11 =	vadd.f32 v11, v7;
	v7 =	vld [tilespmem:s15+$0xCC60]  }
0x84: {  	[tilespmem:s15+$0xCC00] =	vst v12;
	v5 =	vadd.f32 v5, v10;
	v63 =	vld [tilespmem:s15+$0xCC70]  }
0x85: {  	[tilespmem:s15+$0xCC10] =	vst v11;
	v4 =	vadd.f32 v4, v9  }
0x86: {  	[tilespmem:s15+$0xCC20] =	vst v5;
	v3 =	vadd.f32 v3, v8  }
0x87: {  	[tilespmem:s15+$0xCC30] =	vst v4;
	v2 =	vadd.f32 v2, v6  }
0x88: {  	[tilespmem:s15+$0xCC40] =	vst v3;
	v1 =	vadd.f32 v1, v7  }
0x89: {  	[tilespmem:s15+$0xCC50] =	vst v2;
	v0 =	vadd.f32 v0, v63  }
0x8a: {  	[tilespmem:s15+$0xCC60] =	vst v1  }
0x8b: {  	s16 =	rddreg [dreg:$0xb];
	[tilespmem:s15+$0xCC70] =	vst v0;
	s15 =	simm.s32 $0x0  }
0x8c: {  	[hbm4b:s16+s15] =	stream.linear.scatter [tilespmem:s4], [sflag:$0xA], $0x6400, $0x38;
	[tilespmem:$0x1F800] =	vst v63  }
0x8d: {  	s19 =	rddreg [dreg:$0xc];
	s17 =	simm.s32 $0x100  }
0x8e: {  	[tilespmem:s17], [sflag:$0x2] =	stream.linear.gather [hbm4b:s19+s15], $0xC8, $0x38;
	[tilespmem:$0x1F800] =	vst v63  }
0x8f: {  	_ =	swait.ge [sflag:s11], $0xC8  }
0x90: {  	[sflag:s11] =	ssyncset.done $0x0  }
0x91: {  	[sflag:s11] =	ssyncadd.s32 $0xFFFFFF38  }
0x92: {  	[tilespmem:s12], [sflag:$0x8] =	stream.indirect.gather [hbm4b:s2+s3], $0x80, s31, s3, $0xb8;
	[tilespmem:$0x1F800] =	vst v63  }
.LBB2_6:
0x93: {  	_ =	swait.ge [sflag:s13], $0x6400  }
0x94: {  	[sflag:s13] =	ssyncset.done $0x0  }
0x95: {  	s17 =	simm.s32 $0x0;
	[sflag:s13] =	ssyncadd.s32 $0xFFFF9C00  }
0x96: {  	v6 =	vld [tilespmem:s17+$0x400]  }
0x97: {  	v11 =	vld [tilespmem:s17+$0x410]  }
0x98: {  	v5 =	vld [tilespmem:s17+$0x420]  }
0x99: {  	v4 =	vld [tilespmem:s17+$0x430]  }
0x9a: {  	v3 =	vld [tilespmem:s17+$0x440]  }
0x9b: {  	v2 =	vld [tilespmem:s17+$0x450]  }
0x9c: {  	v1 =	vld [tilespmem:s17+$0x460]  }
0x9d: {  	v0 =	vld [tilespmem:s17+$0x470]  }
0x9e: {  	v12 =	vld [tilespmem:s17+$0x13000]  }
0x9f: {  	v13 =	vld [tilespmem:s17+$0x13010]  }
0xa0: {  	v10 =	vld [tilespmem:s17+$0x13020]  }
0xa1: {  	v9 =	vld [tilespmem:s17+$0x13030]  }
0xa2: {  	v8 =	vld [tilespmem:s17+$0x13040]  }
0xa3: {  	v7 =	vld [tilespmem:s17+$0x13050];
	v12 =	vadd.f32 v6, v12  }
0xa4: {  	s16 =	simm.s32 $0x200;
	v11 =	vadd.f32 v11, v13;
	v6 =	vld [tilespmem:s17+$0x13060]  }
.LBB2_7:
0xa5: {  	s18 =	sshra.s32 s16, $0x2;
	p0 =	sne.s32 s16, $0x18E00;
	[tilespmem:s17+$0x13000] =	vst v12;
	v5 =	vadd.f32 v5, v10;
	v10 =	vld [tilespmem:s17+$0x13070]  }
0xa6: {  	v12 =	vld [tilespmem:s18+$0x400];
	[tilespmem:s17+$0x13010] =	vst v11;
	v4 =	vadd.f32 v4, v9  }
0xa7: {  	v11 =	vld [tilespmem:s18+$0x410];
	[tilespmem:s17+$0x13020] =	vst v5;
	v3 =	vadd.f32 v3, v8  }
0xa8: {  	v5 =	vld [tilespmem:s18+$0x420];
	[tilespmem:s17+$0x13030] =	vst v4;
	v2 =	vadd.f32 v2, v7  }
0xa9: {  	v4 =	vld [tilespmem:s18+$0x430];
	[tilespmem:s17+$0x13040] =	vst v3;
	v1 =	vadd.f32 v1, v6  }
0xaa: {  	v3 =	vld [tilespmem:s18+$0x440];
	[tilespmem:s17+$0x13050] =	vst v2;
	v0 =	vadd.f32 v0, v10  }
0xab: {  	v2 =	vld [tilespmem:s18+$0x450];
	[tilespmem:s17+$0x13060] =	vst v1  }
0xac: {  	v1 =	vld [tilespmem:s18+$0x460];
	[tilespmem:s17+$0x13070] =	vst v0;
	s17 =	smov.u32 s18  }
0xad: {  	v0 =	vld [tilespmem:s17+$0x470]  }
0xae: {  	v6 =	vld [tilespmem:s17+$0x13000]  }
0xaf: {  	v13 =	vld [tilespmem:s17+$0x13010]  }
.Ltmp2:
0xb0: {  	v10 =	vld [tilespmem:s17+$0x13020];
	(pc) =	sbr.rel @p0 .LBB2_7-.Ltmp2, $4  }
0xb1: {  	v9 =	vld [tilespmem:s17+$0x13030]  }
0xb2: {  	v8 =	vld [tilespmem:s17+$0x13040]  }
0xb3: {  	v12 =	vadd.f32 v12, v6;
	v7 =	vld [tilespmem:s17+$0x13050]  }
0xb4: {  	s16 =	sadd.s32 $0x200, s16;
	v11 =	vadd.f32 v11, v13;
	v6 =	vld [tilespmem:s17+$0x13060]  }
0xb5: {  	[tilespmem:s17+$0x13000] =	vst v12;
	v5 =	vadd.f32 v5, v10;
	v10 =	vld [tilespmem:s17+$0x13070]  }
0xb6: {  	[tilespmem:s17+$0x13010] =	vst v11;
	v4 =	vadd.f32 v4, v9  }
0xb7: {  	[tilespmem:s17+$0x13020] =	vst v5;
	v3 =	vadd.f32 v3, v8  }
0xb8: {  	s16 =	smul.u32 $0x320, s15;
	[tilespmem:s17+$0x13030] =	vst v4;
	v2 =	vadd.f32 v2, v7  }
0xb9: {  	s18 =	rddreg [dreg:$0xd];
	[tilespmem:s17+$0x13040] =	vst v3;
	v1 =	vadd.f32 v1, v6  }
0xba: {  	s18 =	sadd.s32 s16, s18;
	[tilespmem:s17+$0x13050] =	vst v2;
	v0 =	vadd.f32 v0, v10  }
0xbb: {  	s18 =	sshll.u32 s18, $0x4;
	[tilespmem:s17+$0x13060] =	vst v1  }
0xbc: {  	s19 =	sadd.s32 s5, s18;
	s18 =	simm.s32 $0x0;
	[tilespmem:s17+$0x13070] =	vst v0  }
0xbd: {  	[hbm4b:s19+s18] =	stream.linear.scatter [tilespmem:s9], [sflag:$0xB], $0x6400, $0x38;
	[tilespmem:$0x1F800] =	vst v63  }
0xbe: {  	s19 =	rddreg [dreg:$0xe]  }
0xbf: {  	s17 =	sadd.s32 s16, s19  }
0xc0: {  	s17 =	sshrl.u32 s17, $0x3  }
0xc1: {  	s17 =	sadd.s32 s1, s17  }
0xc2: {  	[tilespmem:s30], [sflag:$0x3] =	stream.linear.gather [hbm4b:s17+s18], $0xC8, $0x38;
	[tilespmem:$0x1F800] =	vst v63  }
0xc3: {  	_ =	swait.ge [sflag:s14], $0xC8  }
0xc4: {  	[sflag:s14] =	ssyncset.done $0x0  }
0xc5: {  	[sflag:s14] =	ssyncadd.s32 $0xFFFFFF38  }
0xc6: {  	_ =	swait.ge [sflag:s23], $0x6400  }
0xc7: {  	[sflag:s23] =	ssyncset.done $0x0  }
0xc8: {  	[sflag:s23] =	ssyncadd.s32 $0xFFFF9C00  }
0xc9: {  	[tilespmem:s0], [sflag:$0x5] =	stream.indirect.gather [hbm4b:s2+s3], $0x80, s18, s3, $0xb8;
	[tilespmem:$0x1F800] =	vst v63  }
0xca: {  	_ =	swait.ge [sflag:s24], $0x6400  }
0xcb: {  	[sflag:s24] =	ssyncset.done $0x0  }
0xcc: {  	s17 =	simm.s32 $0x0;
	[sflag:s24] =	ssyncadd.s32 $0xFFFF9C00  }
0xcd: {  	v7 =	vld [tilespmem:s17+$0x400]  }
0xce: {  	v11 =	vld [tilespmem:s17+$0x410]  }
0xcf: {  	v5 =	vld [tilespmem:s17+$0x420]  }
0xd0: {  	v4 =	vld [tilespmem:s17+$0x430]  }
0xd1: {  	v3 =	vld [tilespmem:s17+$0x440]  }
0xd2: {  	v2 =	vld [tilespmem:s17+$0x450]  }
0xd3: {  	v1 =	vld [tilespmem:s17+$0x460]  }
0xd4: {  	v0 =	vld [tilespmem:s17+$0x470]  }
0xd5: {  	v12 =	vld [tilespmem:s17+$0x19400]  }
0xd6: {  	v13 =	vld [tilespmem:s17+$0x19410]  }
0xd7: {  	v10 =	vld [tilespmem:s17+$0x19420]  }
0xd8: {  	v9 =	vld [tilespmem:s17+$0x19430]  }
0xd9: {  	v8 =	vld [tilespmem:s17+$0x19440]  }
0xda: {  	v6 =	vld [tilespmem:s17+$0x19450];
	v12 =	vadd.f32 v7, v12  }
0xdb: {  	s18 =	simm.s32 $0x200;
	v11 =	vadd.f32 v11, v13;
	v7 =	vld [tilespmem:s17+$0x19460]  }
.LBB2_9:
0xdc: {  	s19 =	sshra.s32 s18, $0x2;
	p0 =	sne.s32 s18, $0x18E00;
	[tilespmem:s17+$0x19400] =	vst v12;
	v5 =	vadd.f32 v5, v10;
	v10 =	vld [tilespmem:s17+$0x19470]  }
0xdd: {  	v12 =	vld [tilespmem:s19+$0x400];
	[tilespmem:s17+$0x19410] =	vst v11;
	v4 =	vadd.f32 v4, v9  }
0xde: {  	v11 =	vld [tilespmem:s19+$0x410];
	[tilespmem:s17+$0x19420] =	vst v5;
	v3 =	vadd.f32 v3, v8  }
0xdf: {  	v5 =	vld [tilespmem:s19+$0x420];
	[tilespmem:s17+$0x19430] =	vst v4;
	v2 =	vadd.f32 v2, v6  }
0xe0: {  	v4 =	vld [tilespmem:s19+$0x430];
	[tilespmem:s17+$0x19440] =	vst v3;
	v1 =	vadd.f32 v1, v7  }
0xe1: {  	v3 =	vld [tilespmem:s19+$0x440];
	[tilespmem:s17+$0x19450] =	vst v2;
	v0 =	vadd.f32 v0, v10  }
0xe2: {  	v2 =	vld [tilespmem:s19+$0x450];
	[tilespmem:s17+$0x19460] =	vst v1  }
0xe3: {  	v1 =	vld [tilespmem:s19+$0x460];
	[tilespmem:s17+$0x19470] =	vst v0;
	s17 =	smov.u32 s19  }
0xe4: {  	v0 =	vld [tilespmem:s17+$0x470]  }
0xe5: {  	v6 =	vld [tilespmem:s17+$0x19400]  }
0xe6: {  	v7 =	vld [tilespmem:s17+$0x19410]  }
.Ltmp3:
0xe7: {  	v10 =	vld [tilespmem:s17+$0x19420];
	(pc) =	sbr.rel @p0 .LBB2_9-.Ltmp3, $4  }
0xe8: {  	v9 =	vld [tilespmem:s17+$0x19430]  }
0xe9: {  	v8 =	vld [tilespmem:s17+$0x19440]  }
0xea: {  	v12 =	vadd.f32 v12, v6;
	v6 =	vld [tilespmem:s17+$0x19450]  }
0xeb: {  	s18 =	sadd.s32 $0x200, s18;
	v11 =	vadd.f32 v11, v7;
	v7 =	vld [tilespmem:s17+$0x19460]  }
0xec: {  	[tilespmem:s17+$0x19400] =	vst v12;
	v5 =	vadd.f32 v5, v10;
	v10 =	vld [tilespmem:s17+$0x19470]  }
0xed: {  	[tilespmem:s17+$0x19410] =	vst v11;
	v4 =	vadd.f32 v4, v9  }
0xee: {  	[tilespmem:s17+$0x19420] =	vst v5;
	v3 =	vadd.f32 v3, v8  }
0xef: {  	[tilespmem:s17+$0x19430] =	vst v4;
	v2 =	vadd.f32 v2, v6  }
0xf0: {  	s18 =	rddreg [dreg:$0xf];
	[tilespmem:s17+$0x19440] =	vst v3;
	v1 =	vadd.f32 v1, v7  }
0xf1: {  	s18 =	sadd.s32 s16, s18;
	[tilespmem:s17+$0x19450] =	vst v2;
	v0 =	vadd.f32 v0, v10  }
0xf2: {  	s18 =	sshll.u32 s18, $0x4;
	[tilespmem:s17+$0x19460] =	vst v1  }
0xf3: {  	s19 =	sadd.s32 s5, s18;
	s18 =	simm.s32 $0x0;
	[tilespmem:s17+$0x19470] =	vst v0  }
0xf4: {  	[hbm4b:s19+s18] =	stream.linear.scatter [tilespmem:s12], [sflag:$0xC], $0x6400, $0x38;
	[tilespmem:$0x1F800] =	vst v63  }
0xf5: {  	s19 =	rddreg [dreg:$0x10]  }
0xf6: {  	s17 =	sadd.s32 s16, s19  }
0xf7: {  	s17 =	sshrl.u32 s17, $0x3  }
0xf8: {  	s17 =	sadd.s32 s1, s17  }
0xf9: {  	[tilespmem:s31], [sflag:$0x4] =	stream.linear.gather [hbm4b:s17+s18], $0xC8, $0x38;
	[tilespmem:$0x1F800] =	vst v63  }
0xfa: {  	_ =	swait.ge [sflag:s25], $0xC8  }
0xfb: {  	[sflag:s25] =	ssyncset.done $0x0  }
0xfc: {  	[sflag:s25] =	ssyncadd.s32 $0xFFFFFF38  }
0xfd: {  	_ =	swait.ge [sflag:s7], $0x6400  }
0xfe: {  	[sflag:s7] =	ssyncset.done $0x0  }
0xff: {  	s19 =	simm.s32 $0x100;
	[sflag:s7] =	ssyncadd.s32 $0xFFFF9C00  }
0x100: {  	[tilespmem:s4], [sflag:$0x6] =	stream.indirect.gather [hbm4b:s2+s3], $0x80, s19, s3, $0xb8;
	[tilespmem:$0x1F800] =	vst v63  }
0x101: {  	_ =	swait.ge [sflag:s26], $0x6400  }
0x102: {  	[sflag:s26] =	ssyncset.done $0x0  }
0x103: {  	s17 =	simm.s32 $0x0;
	[sflag:s26] =	ssyncadd.s32 $0xFFFF9C00  }
0x104: {  	v7 =	vld [tilespmem:s17+$0x400]  }
0x105: {  	v11 =	vld [tilespmem:s17+$0x410]  }
0x106: {  	v5 =	vld [tilespmem:s17+$0x420]  }
0x107: {  	v4 =	vld [tilespmem:s17+$0x430]  }
0x108: {  	v3 =	vld [tilespmem:s17+$0x440]  }
0x109: {  	v2 =	vld [tilespmem:s17+$0x450]  }
0x10a: {  	v1 =	vld [tilespmem:s17+$0x460]  }
0x10b: {  	v0 =	vld [tilespmem:s17+$0x470]  }
0x10c: {  	v12 =	vld [tilespmem:s17+$0x6800]  }
0x10d: {  	v13 =	vld [tilespmem:s17+$0x6810]  }
0x10e: {  	v10 =	vld [tilespmem:s17+$0x6820]  }
0x10f: {  	v9 =	vld [tilespmem:s17+$0x6830]  }
0x110: {  	v8 =	vld [tilespmem:s17+$0x6840]  }
0x111: {  	v6 =	vld [tilespmem:s17+$0x6850];
	v12 =	vadd.f32 v7, v12  }
0x112: {  	s18 =	simm.s32 $0x200;
	v11 =	vadd.f32 v11, v13;
	v7 =	vld [tilespmem:s17+$0x6860]  }
.LBB2_11:
0x113: {  	s19 =	sshra.s32 s18, $0x2;
	p0 =	sne.s32 s18, $0x18E00;
	[tilespmem:s17+$0x6800] =	vst v12;
	v5 =	vadd.f32 v5, v10;
	v10 =	vld [tilespmem:s17+$0x6870]  }
0x114: {  	v12 =	vld [tilespmem:s19+$0x400];
	[tilespmem:s17+$0x6810] =	vst v11;
	v4 =	vadd.f32 v4, v9  }
0x115: {  	v11 =	vld [tilespmem:s19+$0x410];
	[tilespmem:s17+$0x6820] =	vst v5;
	v3 =	vadd.f32 v3, v8  }
0x116: {  	v5 =	vld [tilespmem:s19+$0x420];
	[tilespmem:s17+$0x6830] =	vst v4;
	v2 =	vadd.f32 v2, v6  }
0x117: {  	v4 =	vld [tilespmem:s19+$0x430];
	[tilespmem:s17+$0x6840] =	vst v3;
	v1 =	vadd.f32 v1, v7  }
0x118: {  	v3 =	vld [tilespmem:s19+$0x440];
	[tilespmem:s17+$0x6850] =	vst v2;
	v0 =	vadd.f32 v0, v10  }
0x119: {  	v2 =	vld [tilespmem:s19+$0x450];
	[tilespmem:s17+$0x6860] =	vst v1  }
0x11a: {  	v1 =	vld [tilespmem:s19+$0x460];
	[tilespmem:s17+$0x6870] =	vst v0;
	s17 =	smov.u32 s19  }
0x11b: {  	v0 =	vld [tilespmem:s17+$0x470]  }
0x11c: {  	v6 =	vld [tilespmem:s17+$0x6800]  }
0x11d: {  	v7 =	vld [tilespmem:s17+$0x6810]  }
.Ltmp4:
0x11e: {  	v10 =	vld [tilespmem:s17+$0x6820];
	(pc) =	sbr.rel @p0 .LBB2_11-.Ltmp4, $4  }
0x11f: {  	v9 =	vld [tilespmem:s17+$0x6830]  }
0x120: {  	v8 =	vld [tilespmem:s17+$0x6840]  }
0x121: {  	v12 =	vadd.f32 v12, v6;
	v6 =	vld [tilespmem:s17+$0x6850]  }
0x122: {  	s18 =	sadd.s32 $0x200, s18;
	v11 =	vadd.f32 v11, v7;
	v7 =	vld [tilespmem:s17+$0x6860]  }
0x123: {  	[tilespmem:s17+$0x6800] =	vst v12;
	v5 =	vadd.f32 v5, v10;
	v10 =	vld [tilespmem:s17+$0x6870]  }
0x124: {  	[tilespmem:s17+$0x6810] =	vst v11;
	v4 =	vadd.f32 v4, v9  }
0x125: {  	[tilespmem:s17+$0x6820] =	vst v5;
	v3 =	vadd.f32 v3, v8  }
0x126: {  	[tilespmem:s17+$0x6830] =	vst v4;
	v2 =	vadd.f32 v2, v6  }
0x127: {  	s18 =	rddreg [dreg:$0x11];
	[tilespmem:s17+$0x6840] =	vst v3;
	v1 =	vadd.f32 v1, v7  }
0x128: {  	s18 =	sadd.s32 s16, s18;
	[tilespmem:s17+$0x6850] =	vst v2;
	v0 =	vadd.f32 v0, v10  }
0x129: {  	p0 =	seq.s32 s15, $0x1E;
	s18 =	sshll.u32 s18, $0x4;
	[tilespmem:s17+$0x6860] =	vst v1  }
0x12a: {  	s19 =	sadd.s32 s5, s18;
	[tilespmem:s17+$0x6870] =	vst v0;
	s17 =	sadd.s32 @!p0 s16, s20  }
0x12b: {  	[hbm4b:s19+s6] =	stream.linear.scatter [tilespmem:s0], [sflag:$0x9], $0x6400, $0x38;
	[tilespmem:$0x1F800] =	vst v63  }
0x12c: {  	s17 =	sshrl.u32 @!p0 s17, $0x3  }
0x12d: {  	s18 =	simm.s32 @!p0 $0x0;
	s17 =	sadd.s32 @!p0 s1, s17  }
0x12e: {  	[tilespmem:s18], [sflag:$0x1] =	stream.linear.gather @!p0 [hbm4b:s17+s18], $0xC8, $0x38;
	[tilespmem:$0x1F800] =	vst v63  }
0x12f: {  	_ =	swait.ge [sflag:s8], $0xC8  }
0x130: {  	[sflag:s8] =	ssyncset.done $0x0  }
0x131: {  	[sflag:s8] =	ssyncadd.s32 $0xFFFFFF38  }
0x132: {  	_ =	swait.ge [sflag:s28], $0x6400  }
0x133: {  	[sflag:s28] =	ssyncset.done $0x0  }
0x134: {  	[sflag:s28] =	ssyncadd.s32 $0xFFFF9C00  }
0x135: {  	[tilespmem:s9], [sflag:$0x7] =	stream.indirect.gather [hbm4b:s2+s3], $0x80, s30, s3, $0xb8;
	[tilespmem:$0x1F800] =	vst v63  }
0x136: {  	_ =	swait.ge [sflag:s10], $0x6400  }
0x137: {  	[sflag:s10] =	ssyncset.done $0x0  }
0x138: {  	s17 =	simm.s32 $0x0;
	[sflag:s10] =	ssyncadd.s32 $0xFFFF9C00  }
0x139: {  	v7 =	vld [tilespmem:s17+$0x400]  }
0x13a: {  	v11 =	vld [tilespmem:s17+$0x410]  }
0x13b: {  	v5 =	vld [tilespmem:s17+$0x420]  }
0x13c: {  	v4 =	vld [tilespmem:s17+$0x430]  }
0x13d: {  	v3 =	vld [tilespmem:s17+$0x440]  }
0x13e: {  	v2 =	vld [tilespmem:s17+$0x450]  }
0x13f: {  	v1 =	vld [tilespmem:s17+$0x460]  }
0x140: {  	v0 =	vld [tilespmem:s17+$0x470]  }
0x141: {  	v12 =	vld [tilespmem:s17+$0xCC00]  }
0x142: {  	v13 =	vld [tilespmem:s17+$0xCC10]  }
0x143: {  	v10 =	vld [tilespmem:s17+$0xCC20]  }
0x144: {  	v9 =	vld [tilespmem:s17+$0xCC30]  }
0x145: {  	v8 =	vld [tilespmem:s17+$0xCC40]  }
0x146: {  	v6 =	vld [tilespmem:s17+$0xCC50];
	v12 =	vadd.f32 v7, v12  }
0x147: {  	s18 =	simm.s32 $0x200;
	v11 =	vadd.f32 v11, v13;
	v7 =	vld [tilespmem:s17+$0xCC60]  }
.LBB2_13:
0x148: {  	s19 =	sshra.s32 s18, $0x2;
	p1 =	sne.s32 s18, $0x18E00;
	[tilespmem:s17+$0xCC00] =	vst v12;
	v5 =	vadd.f32 v5, v10;
	v10 =	vld [tilespmem:s17+$0xCC70]  }
0x149: {  	v12 =	vld [tilespmem:s19+$0x400];
	[tilespmem:s17+$0xCC10] =	vst v11;
	v4 =	vadd.f32 v4, v9  }
0x14a: {  	v11 =	vld [tilespmem:s19+$0x410];
	[tilespmem:s17+$0xCC20] =	vst v5;
	v3 =	vadd.f32 v3, v8  }
0x14b: {  	v5 =	vld [tilespmem:s19+$0x420];
	[tilespmem:s17+$0xCC30] =	vst v4;
	v2 =	vadd.f32 v2, v6  }
0x14c: {  	v4 =	vld [tilespmem:s19+$0x430];
	[tilespmem:s17+$0xCC40] =	vst v3;
	v1 =	vadd.f32 v1, v7  }
0x14d: {  	v3 =	vld [tilespmem:s19+$0x440];
	[tilespmem:s17+$0xCC50] =	vst v2;
	v0 =	vadd.f32 v0, v10  }
0x14e: {  	v2 =	vld [tilespmem:s19+$0x450];
	[tilespmem:s17+$0xCC60] =	vst v1  }
0x14f: {  	v1 =	vld [tilespmem:s19+$0x460];
	[tilespmem:s17+$0xCC70] =	vst v0;
	s17 =	smov.u32 s19  }
0x150: {  	v0 =	vld [tilespmem:s17+$0x470]  }
0x151: {  	v6 =	vld [tilespmem:s17+$0xCC00]  }
0x152: {  	v7 =	vld [tilespmem:s17+$0xCC10]  }
.Ltmp5:
0x153: {  	v10 =	vld [tilespmem:s17+$0xCC20];
	(pc) =	sbr.rel @p1 .LBB2_13-.Ltmp5, $4  }
0x154: {  	v9 =	vld [tilespmem:s17+$0xCC30]  }
0x155: {  	v8 =	vld [tilespmem:s17+$0xCC40]  }
0x156: {  	v12 =	vadd.f32 v12, v6;
	v6 =	vld [tilespmem:s17+$0xCC50]  }
0x157: {  	s18 =	sadd.s32 $0x200, s18;
	v11 =	vadd.f32 v11, v7;
	v7 =	vld [tilespmem:s17+$0xCC60]  }
0x158: {  	[tilespmem:s17+$0xCC00] =	vst v12;
	v5 =	vadd.f32 v5, v10;
	v63 =	vld [tilespmem:s17+$0xCC70]  }
0x159: {  	[tilespmem:s17+$0xCC10] =	vst v11;
	v4 =	vadd.f32 v4, v9  }
0x15a: {  	[tilespmem:s17+$0xCC20] =	vst v5;
	v3 =	vadd.f32 v3, v8  }
0x15b: {  	[tilespmem:s17+$0xCC30] =	vst v4;
	v2 =	vadd.f32 v2, v6  }
0x15c: {  	[tilespmem:s17+$0xCC40] =	vst v3;
	v1 =	vadd.f32 v1, v7  }
0x15d: {  	s18 =	sadd.s32 s16, s21;
	[tilespmem:s17+$0xCC50] =	vst v2;
	v0 =	vadd.f32 v0, v63  }
0x15e: {  	s16 =	sadd.s32 @!p0 s16, s22;
	s18 =	sshll.u32 s18, $0x4;
	[tilespmem:s17+$0xCC60] =	vst v1  }
0x15f: {  	s16 =	sshrl.u32 @!p0 s16, $0x3;
	s19 =	sadd.s32 s5, s18;
	[tilespmem:s17+$0xCC70] =	vst v0  }
0x160: {  	[hbm4b:s19+s6] =	stream.linear.scatter [tilespmem:s4], [sflag:$0xA], $0x6400, $0x38;
	[tilespmem:$0x1F800] =	vst v63  }
0x161: {  	s16 =	sadd.s32 @!p0 s1, s16;
	s18 =	simm.s32 @!p0 $0x100;
	s17 =	simm.s32 @!p0 $0x0  }
0x162: {  	[tilespmem:s18], [sflag:$0x2] =	stream.linear.gather @!p0 [hbm4b:s16+s17], $0xC8, $0x38;
	[tilespmem:$0x1F800] =	vst v63  }
0x163: {  	s15 =	sadd.s32 $0x1, s15;
	_ =	swait.ge [sflag:s11], $0xC8  }
0x164: {  	p0 =	sne.s32 s15, $0x1F;
	[sflag:s11] =	ssyncset.done $0x0  }
.Ltmp6:
0x165: {  	[sflag:s11] =	ssyncadd.s32 $0xFFFFFF38;
	(pc) =	sbr.rel @p0 .LBB2_6-.Ltmp6, $4  }
0x166: {  	_ =	swait.ge [sflag:s29], $0x6400  }
0x167: {  	[sflag:s29] =	ssyncset.done $0x0  }
0x168: {  	[sflag:s29] =	ssyncadd.s32 $0xFFFF9C00  }
0x169: {  	[tilespmem:s12], [sflag:$0x8] =	stream.indirect.gather [hbm4b:s2+s3], $0x80, s31, s3, $0xb8;
	[tilespmem:$0x1F800] =	vst v63  }
0x16a: {  	_ =	swait.ge [sflag:s13], $0x6400  }
0x16b: {  	[sflag:s13] =	ssyncset.done $0x0  }
0x16c: {  	s15 =	simm.s32 $0x0;
	[sflag:s13] =	ssyncadd.s32 $0xFFFF9C00  }
0x16d: {  	v7 =	vld [tilespmem:s15+$0x400]  }
0x16e: {  	v11 =	vld [tilespmem:s15+$0x410]  }
0x16f: {  	v5 =	vld [tilespmem:s15+$0x420]  }
0x170: {  	v4 =	vld [tilespmem:s15+$0x430]  }
0x171: {  	v3 =	vld [tilespmem:s15+$0x440]  }
0x172: {  	v2 =	vld [tilespmem:s15+$0x450]  }
0x173: {  	v1 =	vld [tilespmem:s15+$0x460]  }
0x174: {  	v0 =	vld [tilespmem:s15+$0x470]  }
0x175: {  	v12 =	vld [tilespmem:s15+$0x13000]  }
0x176: {  	v13 =	vld [tilespmem:s15+$0x13010]  }
0x177: {  	v10 =	vld [tilespmem:s15+$0x13020]  }
0x178: {  	v9 =	vld [tilespmem:s15+$0x13030]  }
0x179: {  	v8 =	vld [tilespmem:s15+$0x13040]  }
0x17a: {  	v6 =	vld [tilespmem:s15+$0x13050];
	v12 =	vadd.f32 v7, v12  }
0x17b: {  	s16 =	simm.s32 $0x200;
	v11 =	vadd.f32 v11, v13;
	v7 =	vld [tilespmem:s15+$0x13060]  }
.LBB2_16:
0x17c: {  	s17 =	sshra.s32 s16, $0x2;
	p0 =	sne.s32 s16, $0x18E00;
	[tilespmem:s15+$0x13000] =	vst v12;
	v5 =	vadd.f32 v5, v10;
	v10 =	vld [tilespmem:s15+$0x13070]  }
0x17d: {  	v12 =	vld [tilespmem:s17+$0x400];
	[tilespmem:s15+$0x13010] =	vst v11;
	v4 =	vadd.f32 v4, v9  }
0x17e: {  	v11 =	vld [tilespmem:s17+$0x410];
	[tilespmem:s15+$0x13020] =	vst v5;
	v3 =	vadd.f32 v3, v8  }
0x17f: {  	v5 =	vld [tilespmem:s17+$0x420];
	[tilespmem:s15+$0x13030] =	vst v4;
	v2 =	vadd.f32 v2, v6  }
0x180: {  	v4 =	vld [tilespmem:s17+$0x430];
	[tilespmem:s15+$0x13040] =	vst v3;
	v1 =	vadd.f32 v1, v7  }
0x181: {  	v3 =	vld [tilespmem:s17+$0x440];
	[tilespmem:s15+$0x13050] =	vst v2;
	v0 =	vadd.f32 v0, v10  }
0x182: {  	v2 =	vld [tilespmem:s17+$0x450];
	[tilespmem:s15+$0x13060] =	vst v1  }
0x183: {  	v1 =	vld [tilespmem:s17+$0x460];
	[tilespmem:s15+$0x13070] =	vst v0;
	s15 =	smov.u32 s17  }
0x184: {  	v0 =	vld [tilespmem:s15+$0x470]  }
0x185: {  	v6 =	vld [tilespmem:s15+$0x13000]  }
0x186: {  	v7 =	vld [tilespmem:s15+$0x13010]  }
.Ltmp7:
0x187: {  	v10 =	vld [tilespmem:s15+$0x13020];
	(pc) =	sbr.rel @p0 .LBB2_16-.Ltmp7, $4  }
0x188: {  	v9 =	vld [tilespmem:s15+$0x13030]  }
0x189: {  	v8 =	vld [tilespmem:s15+$0x13040]  }
0x18a: {  	v12 =	vadd.f32 v12, v6;
	v6 =	vld [tilespmem:s15+$0x13050]  }
0x18b: {  	s16 =	sadd.s32 $0x200, s16;
	v11 =	vadd.f32 v11, v7;
	v7 =	vld [tilespmem:s15+$0x13060]  }
0x18c: {  	[tilespmem:s15+$0x13000] =	vst v12;
	v5 =	vadd.f32 v5, v10;
	v10 =	vld [tilespmem:s15+$0x13070]  }
0x18d: {  	[tilespmem:s15+$0x13010] =	vst v11;
	v4 =	vadd.f32 v4, v9  }
0x18e: {  	[tilespmem:s15+$0x13020] =	vst v5;
	v3 =	vadd.f32 v3, v8  }
0x18f: {  	[tilespmem:s15+$0x13030] =	vst v4;
	v2 =	vadd.f32 v2, v6  }
0x190: {  	[tilespmem:s15+$0x13040] =	vst v3;
	v1 =	vadd.f32 v1, v7  }
0x191: {  	[tilespmem:s15+$0x13050] =	vst v2;
	v0 =	vadd.f32 v0, v10  }
0x192: {  	[tilespmem:s15+$0x13060] =	vst v1  }
0x193: {  	s19 =	simm.s32 $0x0;
	s16 =	rddreg [dreg:$0x12];
	[tilespmem:s15+$0x13070] =	vst v0  }
0x194: {  	[hbm4b:s16+s19] =	stream.linear.scatter [tilespmem:s9], [sflag:$0xB], $0x6400, $0x38;
	[tilespmem:$0x1F800] =	vst v63  }
0x195: {  	_ =	swait.ge [sflag:s24], $0x6400  }
0x196: {  	[sflag:s24] =	ssyncset.done $0x0  }
0x197: {  	s15 =	simm.s32 $0x0;
	[sflag:s24] =	ssyncadd.s32 $0xFFFF9C00  }
0x198: {  	v7 =	vld [tilespmem:s15+$0x400]  }
0x199: {  	v11 =	vld [tilespmem:s15+$0x410]  }
0x19a: {  	v5 =	vld [tilespmem:s15+$0x420]  }
0x19b: {  	v4 =	vld [tilespmem:s15+$0x430]  }
0x19c: {  	v3 =	vld [tilespmem:s15+$0x440]  }
0x19d: {  	v2 =	vld [tilespmem:s15+$0x450]  }
0x19e: {  	v1 =	vld [tilespmem:s15+$0x460]  }
0x19f: {  	v0 =	vld [tilespmem:s15+$0x470]  }
0x1a0: {  	v12 =	vld [tilespmem:s15+$0x19400]  }
0x1a1: {  	v13 =	vld [tilespmem:s15+$0x19410]  }
0x1a2: {  	v10 =	vld [tilespmem:s15+$0x19420]  }
0x1a3: {  	v9 =	vld [tilespmem:s15+$0x19430]  }
0x1a4: {  	v8 =	vld [tilespmem:s15+$0x19440]  }
0x1a5: {  	v6 =	vld [tilespmem:s15+$0x19450];
	v12 =	vadd.f32 v7, v12  }
0x1a6: {  	s16 =	simm.s32 $0x200;
	v11 =	vadd.f32 v11, v13;
	v7 =	vld [tilespmem:s15+$0x19460]  }
.LBB2_18:
0x1a7: {  	s17 =	sshra.s32 s16, $0x2;
	p0 =	sne.s32 s16, $0x18E00;
	[tilespmem:s15+$0x19400] =	vst v12;
	v5 =	vadd.f32 v5, v10;
	v10 =	vld [tilespmem:s15+$0x19470]  }
0x1a8: {  	v12 =	vld [tilespmem:s17+$0x400];
	[tilespmem:s15+$0x19410] =	vst v11;
	v4 =	vadd.f32 v4, v9  }
0x1a9: {  	v11 =	vld [tilespmem:s17+$0x410];
	[tilespmem:s15+$0x19420] =	vst v5;
	v3 =	vadd.f32 v3, v8  }
0x1aa: {  	v5 =	vld [tilespmem:s17+$0x420];
	[tilespmem:s15+$0x19430] =	vst v4;
	v2 =	vadd.f32 v2, v6  }
0x1ab: {  	v4 =	vld [tilespmem:s17+$0x430];
	[tilespmem:s15+$0x19440] =	vst v3;
	v1 =	vadd.f32 v1, v7  }
0x1ac: {  	v3 =	vld [tilespmem:s17+$0x440];
	[tilespmem:s15+$0x19450] =	vst v2;
	v0 =	vadd.f32 v0, v10  }
0x1ad: {  	v2 =	vld [tilespmem:s17+$0x450];
	[tilespmem:s15+$0x19460] =	vst v1  }
0x1ae: {  	v1 =	vld [tilespmem:s17+$0x460];
	[tilespmem:s15+$0x19470] =	vst v0;
	s15 =	smov.u32 s17  }
0x1af: {  	v0 =	vld [tilespmem:s15+$0x470]  }
0x1b0: {  	v6 =	vld [tilespmem:s15+$0x19400]  }
0x1b1: {  	v7 =	vld [tilespmem:s15+$0x19410]  }
.Ltmp8:
0x1b2: {  	v10 =	vld [tilespmem:s15+$0x19420];
	(pc) =	sbr.rel @p0 .LBB2_18-.Ltmp8, $4  }
0x1b3: {  	v9 =	vld [tilespmem:s15+$0x19430]  }
0x1b4: {  	v8 =	vld [tilespmem:s15+$0x19440]  }
0x1b5: {  	v12 =	vadd.f32 v12, v6;
	v6 =	vld [tilespmem:s15+$0x19450]  }
0x1b6: {  	s16 =	sadd.s32 $0x200, s16;
	v11 =	vadd.f32 v11, v7;
	v7 =	vld [tilespmem:s15+$0x19460]  }
0x1b7: {  	[tilespmem:s15+$0x19400] =	vst v12;
	v5 =	vadd.f32 v5, v10;
	v63 =	vld [tilespmem:s15+$0x19470]  }
0x1b8: {  	[tilespmem:s15+$0x19410] =	vst v11;
	v4 =	vadd.f32 v4, v9  }
0x1b9: {  	[tilespmem:s15+$0x19420] =	vst v5;
	v3 =	vadd.f32 v3, v8  }
0x1ba: {  	[tilespmem:s15+$0x19430] =	vst v4;
	v2 =	vadd.f32 v2, v6  }
0x1bb: {  	[tilespmem:s15+$0x19440] =	vst v3;
	v1 =	vadd.f32 v1, v7  }
0x1bc: {  	[tilespmem:s15+$0x19450] =	vst v2;
	v0 =	vadd.f32 v0, v63  }
0x1bd: {  	[tilespmem:s15+$0x19460] =	vst v1  }
0x1be: {  	s18 =	rddreg [dreg:$0x13];
	[tilespmem:s15+$0x19470] =	vst v0  }
0x1bf: {  	[hbm4b:s18+s6] =	stream.linear.scatter [tilespmem:s12], [sflag:$0xC], $0x6400, $0x38;
	[tilespmem:$0x1F800] =	vst v63  }
0x1c0: {  	_ =	swait.ge [sflag:s23], $0x6400  }
0x1c1: {  	[sflag:s23] =	ssyncset.done $0x0  }
0x1c2: {  	[sflag:s23] =	ssyncadd.s32 $0xFFFF9C00  }
0x1c3: {  	_ =	swait.ge [sflag:s7], $0x6400  }
0x1c4: {  	[sflag:s7] =	ssyncset.done $0x0  }
0x1c5: {  	[sflag:s7] =	ssyncadd.s32 $0xFFFF9C00  }
0x1c6: {  	_ =	swait.ge [sflag:s28], $0x6400  }
0x1c7: {  	[sflag:s28] =	ssyncset.done $0x0  }
0x1c8: {  	[sflag:s28] =	ssyncadd.s32 $0xFFFF9C00  }
0x1c9: {  	_ =	swait.ge [sflag:s29], $0x6400  }
0x1ca: {  	s16 =	rddreg [dreg:$0x15]  }
0x1cb: {  	s19 =	rddreg [dreg:$0x14];
	s16 =	sadd.s32 $0x1, s16  }
0x1cc: {  	p0 =	sne.s32 s16, s19  }
.Ltmp9:
0x1cd: {  	_ = 	snop;
	(pc) =	sbr.rel @p0 .LBB2_1-.Ltmp9, $3  }
0x1ce: {  	_ =	sdelay $0x1  }
0x1cf: {  	[sflag:s29] =	ssyncset.done $0x0  }
0x1d0: {  	[sflag:s29] =	ssyncadd.s32 $0xFFFF9C00  }
0x1d1: {  	_ =	sfence.sel $0x180000  }
0x1d2: {  	[bflag:$0x0] =	sbarrier.arrive $0xFFFF  }
0x1d3: {  	_ =	strace $0x90000047  }
0x1d4: {  	s0 =	stileid.u32;
	[bflag:$0x2] =	sbarrier.arrive $0xFFFF  }
0x1d5: {  	p0 =	sne.s32 s0, $0x0;
	s0 =	rddreg [dreg:$0x4]  }
0x1d6: {  	s0 =	sadd.s32 @!p0 $0x100000, s0  }
0x1d7: {  	[sflag:s0] =	ssyncadd.tile.s32 @!p0 $0x1;
	_ =	shalt  }
.Lfunc_end2:
_tile_overlayer_lowered:
.L_overlay_start_2:
0x1d8: {  	(tag) =	ssettag $0x2  }
0x1d9: {  	s0 =	rddreg [dreg:$0x0];
	s2 =	stileid.u32  }
0x1da: {  	s1 =	rddreg [dreg:$0x1];
	p0 =	sne.s32 s2, $0x0  }
0x1db: {  	s3 =	rddreg [dreg:$0x2];
	[bflag:$0x3] =	sbarrier.arrive $0xFFFF;
	s2 =	simm.s32 @!p0 $0x1C0D  }
0x1dc: {  	[timem:s3], [sflag:s2] =	dma.local @!p0 [hbm:s0], s1  }
0x1dd: {  	s0 =	simm.s32 @!p0 $0xD  }
0x1de: {  	_ =	swait.ge @!p0 [sflag:s0], s1  }
0x1df: {  	s1 =	ssub.s32 @!p0 $0x0, s1;
	[sflag:s0] =	ssyncset.done @!p0 $0x0  }
0x1e0: {  	[sflag:s0] =	ssyncadd.s32 @!p0 s1  }
0x1e1: {  	[bflag:$0x3] =	sbarrier.arrive $0xFFFF  }
0x1e2: {  	_ =	shalt  }

</sc_bundles>
